<compile_context>
chip_gen: v7x
topology: tpu7x:2x2x1
jax: 0.10.2.dev20260603
libtpu: 0.0.44.dev20260713+nightly
codegen_flags: <defaults>
</compile_context>

<pallas_src>
import functools

import jax
import jax.numpy as jnp
from jax import lax
from jax.experimental import pallas as pl
from jax.experimental.pallas import tpu as pltpu
from jax.experimental.pallas import tpu_sc as plsc

_B, _S, _D, _C = 16, 80, 768, 3
_M = 32
_NOFF = _M * (_M - 1)
_PRW = 4 * _NOFF
_HALF = _PRW // 2

_TN = (((0,), (0,)), ((), ()))
_NT = (((1,), (1,)), ((), ()))
_HI = lax.Precision.HIGHEST

_LANE = 16




def _sc_body(hm_hbm, srt_hbm, pr_hbm, hmv, srv, rankv, idxv, s01, prv):
  core = lax.axis_index("c")
  sub = lax.axis_index("s")
  wid = sub * 2 + core
  b = wid % _B
  h = wid // _B

  pltpu.sync_copy(hm_hbm.at[pl.ds(b * _S, _S)], hmv)
  pltpu.sync_copy(srt_hbm, srv)

  iota = lax.iota(jnp.int32, _LANE)
  cand0 = hmv[pl.ds(0, _LANE)]
  cand1 = hmv[pl.ds(_LANE, _LANE)]
  lane0 = iota
  lane1 = iota + _LANE

  def rank_step(j, carry):
    r0, r1 = carry
    spl = plsc.load_gather(hmv, [jnp.full((_LANE,), 0, jnp.int32) + j])
    b0 = (spl > cand0) | ((spl == cand0) & (j < lane0))
    b1 = (spl > cand1) | ((spl == cand1) & (j < lane1))
    return r0 + b0.astype(jnp.int32), r1 + b1.astype(jnp.int32)

  zero = jnp.zeros((_LANE,), jnp.int32)
  r0, r1 = lax.fori_loop(0, _S, rank_step, (zero, zero))
  rankv[pl.ds(0, _LANE)] = r0
  rankv[pl.ds(_LANE, _LANE)] = r1

  def pos_step(j, carry):
    p0, p1 = carry
    spl = plsc.load_gather(rankv, [jnp.full((_LANE,), 0, jnp.int32) + j])
    return p0 + (spl < r0).astype(jnp.int32), p1 + (spl < r1).astype(jnp.int32)

  p0, p1 = lax.fori_loop(0, _M, pos_step, (zero, zero))
  plsc.store_scatter(idxv, [p0], r0)
  plsc.store_scatter(idxv, [p1], r1)

  for g in range(2):
    sel = idxv[pl.ds(g * _LANE, _LANE)]
    s01[pl.ds(g * _LANE, _LANE)] = plsc.load_gather(srv, [sel])
    s01[pl.ds(_M + g * _LANE, _LANE)] = plsc.load_gather(srv, [sel + _S])

  base_t = h * (_NOFF // _LANE // 2)

  def pr_step(t, _):
    q = (base_t + t) * _LANE + iota
    i = q // (_M - 1)
    jj = q % (_M - 1)
    j = jj + (jj >= i).astype(jnp.int32)
    a = plsc.load_gather(s01, [i])
    bb = plsc.load_gather(s01, [i + _M])
    c = plsc.load_gather(s01, [j])
    d = plsc.load_gather(s01, [j + _M])
    f = 4 * q - _HALF * h
    plsc.store_scatter(prv, [f], a)
    plsc.store_scatter(prv, [f + 1], bb)
    plsc.store_scatter(prv, [f + 2], c)
    plsc.store_scatter(prv, [f + 3], d)
    return 0

  lax.fori_loop(0, _NOFF // _LANE // 2, pr_step, 0)
  pltpu.sync_copy(prv, pr_hbm.at[pl.ds(b * _PRW + h * _HALF, _HALF)])


def _sc_select(hm, srt_flat):
  mesh = plsc.VectorSubcoreMesh(
      core_axis_name="c", subcore_axis_name="s", num_cores=2, num_subcores=16)
  return pl.kernel(
      _sc_body,
      out_type=jax.ShapeDtypeStruct((_B * _PRW,), jnp.int32),
      mesh=mesh,
      compiler_params=pltpu.CompilerParams(needs_layout_passes=False),
      scratch_types=[
          pltpu.VMEM((_S,), jnp.float32),
          pltpu.VMEM((2 * _S,), jnp.int32),
          pltpu.VMEM((_M,), jnp.int32),
          pltpu.VMEM((_M,), jnp.int32),
          pltpu.VMEM((2 * _M,), jnp.int32),
          pltpu.VMEM((_HALF,), jnp.int32),
      ],
  )(hm, srt_flat)




def _tc_body(x_ref, hm_ref, w1_ref, w2_ref, w3t_ref, bpair_ref, logits_ref):
  xb = x_ref[0]
  hm_row = hm_ref[0]

  eye_s = (lax.broadcasted_iota(jnp.int32, (_S, _S), 0) ==
           lax.broadcasted_iota(jnp.int32, (_S, _S), 1)).astype(jnp.float32)
  hm_col = lax.dot_general(eye_s, hm_row, _NT, precision=_HI)

  row_i = lax.broadcasted_iota(jnp.int32, (_S, _S), 0)
  col_j = lax.broadcasted_iota(jnp.int32, (_S, _S), 1)
  beats = (hm_row > hm_col) | ((hm_row == hm_col) & (col_j < row_i))
  rank_col = jnp.sum(beats.astype(jnp.float32), axis=1, keepdims=True)

  r32_col = rank_col[:_M]
  eye_m = (lax.broadcasted_iota(jnp.int32, (_M, _M), 0) ==
           lax.broadcasted_iota(jnp.int32, (_M, _M), 1)).astype(jnp.float32)
  r32_row = lax.dot_general(r32_col, eye_m, _TN, precision=_HI)
  pos_col = jnp.sum((r32_row < r32_col).astype(jnp.float32),
                    axis=1, keepdims=True)
  oh_pos = (pos_col == lax.broadcasted_iota(
      jnp.int32, (_M, _M), 1).astype(jnp.float32)).astype(jnp.float32)
  oh_rank = (r32_col == lax.broadcasted_iota(
      jnp.int32, (_M, _S), 1).astype(jnp.float32)).astype(jnp.float32)
  P = lax.dot_general(oh_pos, oh_rank, _TN, precision=_HI)

  x_rk = jnp.dot(P, xb, precision=_HI)

  A = jnp.dot(x_rk, w1_ref[...], precision=_HI)
  Bt = lax.dot_general(w2_ref[...], x_rk, (((0,), (1,)), ((), ())),
                       precision=_HI)
  bp = bpair_ref[...]
  sig = []
  for c in range(_C):
    wc = w3t_ref[c:c + 1, :]
    Mc = lax.dot_general(x_rk * wc, x_rk, _NT, precision=_HI)
    pre = Mc + A[:, c:c + 1] + Bt[c:c + 1, :] + bp[0, c]
    sig.append(jax.nn.sigmoid(pre))
  mx = jnp.maximum(jnp.maximum(sig[0], sig[1]), sig[2])
  es = [jnp.exp(s - mx) for s in sig]
  den = es[0] + es[1] + es[2]
  for c in range(_C):
    logits_ref[0, c] = es[c] / den


@jax.jit
def _run(x, span_ranges, W_span, b_span, W_pair, b_pair):
  W1 = W_pair[:_D, :]
  W2 = W_pair[_D:2 * _D, :]
  W3T = W_pair[2 * _D:, :].T
  bpair = b_pair.reshape(1, _C)
  srt_flat = jnp.ravel(span_ranges.T)
  hm = jax.nn.sigmoid(x @ W_span + b_span).mean(axis=-1)

  pr_flat = _sc_select(jnp.ravel(hm), srt_flat)

  logits_full = pl.pallas_call(
      _tc_body,
      grid=(_B,),
      in_specs=[
          pl.BlockSpec((1, _S, _D), lambda b: (b, 0, 0)),
          pl.BlockSpec((1, 1, _S), lambda b: (b, 0, 0)),
          pl.BlockSpec((_D, _C), lambda b: (0, 0)),
          pl.BlockSpec((_D, _C), lambda b: (0, 0)),
          pl.BlockSpec((_C, _D), lambda b: (0, 0)),
          pl.BlockSpec((1, _C), lambda b: (0, 0)),
      ],
      out_specs=pl.BlockSpec((1, _C, _M, _M), lambda b: (b, 0, 0, 0)),
      out_shape=jax.ShapeDtypeStruct((_B, _C, _M, _M), jnp.float32),
  )(x, hm.reshape(_B, 1, _S), W1, W2, W3T, bpair)

  logits = logits_full.reshape(_B, _C, _M * _M).transpose(0, 2, 1)
  logits = logits[:, 1:, :].reshape(_B, _M - 1, _M + 1, _C)[:, :, :_M, :]
  logits = logits.reshape(_B, _NOFF, _C)
  pair_ranges = pr_flat.reshape(_B, _NOFF, 2, 2)
  return logits, pair_ranges


def kernel(x, span_ranges, W_span, b_span, W_pair, b_pair):
  return _run(x, span_ranges, W_span, b_span, W_pair, b_pair)

# --- scband reference (transcript-rebuilt; emitter-appended) ---
"""Pipeline reference for scband-relation-scorer-13632226198204 (READ-ONLY COPY).

The authoritative reference and input builder live on the scoring server;
editing this copy changes nothing except your own understanding.
"""

import jax, jax.numpy as jnp
import numpy as np

B, S, D, C = 16, 80, 768, 3
K_FRAC = 0.4


def setup_inputs(seed: int = 0) -> dict:
    key = jax.random.key(seed)
    ks = jax.random.split(key, 6)
    x = jax.random.normal(ks[0], (B, S, D), dtype=jnp.float32)
    span_ranges = jax.random.randint(ks[1], (S, 2), 0, 512, dtype=jnp.int32)
    W_span = jax.random.normal(ks[2], (D, 1), dtype=jnp.float32) * 0.02
    b_span = jnp.zeros((1,), dtype=jnp.float32)
    W_pair = jax.random.normal(ks[3], (3 * D, C), dtype=jnp.float32) * 0.02
    b_pair = jnp.zeros((C,), dtype=jnp.float32)
    return {"x": x, "span_ranges": span_ranges, "W_span": W_span, "b_span": b_span, "W_pair": W_pair, "b_pair": b_pair}


def reference(x, span_ranges, W_span, b_span, W_pair, b_pair):
    kS = K_FRAC * S
    m = int(np.sum(np.arange(S) < kS))  # number of selected spans per example (constant)
    # span scorer: Linear(D,1) + Sigmoid
    h = jax.nn.sigmoid(x @ W_span + b_span)  # [B, S, 1]
    hm = h.mean(axis=-1)  # [B, S]
    order = jnp.argsort(-hm, axis=-1)  # descending argsort, [B, S]
    # select rank-positions j where argsort value < k * num_of_spans (exactly m per row)
    idx = jax.vmap(lambda r: jnp.nonzero(r < kS, size=m)[0])(order)  # [B, m]
    x_ranked = jnp.take_along_axis(x, idx[:, :, None], axis=1)  # [B, m, D]
    # all ordered pairs i != j, row-major (i outer, j inner), matching the torch loops
    xi = jnp.broadcast_to(x_ranked[:, :, None, :], (B, m, m, D))
    xj = jnp.broadcast_to(x_ranked[:, None, :, :], (B, m, m, D))
    pairs = jnp.concatenate([xi, xj, xi * xj], axis=-1).reshape(B, m * m, 3 * D)
    offdiag = jnp.nonzero(~jnp.eye(m, dtype=bool).reshape(-1), size=m * (m - 1))[0]
    x_paired = jax.lax.stop_gradient(pairs[:, offdiag, :])  # torch.no_grad equivalent
    # pair scorer: Linear(3D, C) + Sigmoid, then Softmax
    logits = jax.nn.softmax(jax.nn.sigmoid(x_paired @ W_pair + b_pair), axis=-1)  # [B, m*(m-1), C]
    # span pair ranges (span_ranges shared across batch, like the python list in torch)
    sr = span_ranges[idx]  # [B, m, 2]
    ri = jnp.broadcast_to(sr[:, :, None, :], (B, m, m, 2))
    rj = jnp.broadcast_to(sr[:, None, :, :], (B, m, m, 2))
    pair_ranges = jnp.stack([ri, rj], axis=-2).reshape(B, m * m, 2, 2)[:, offdiag]  # [B, m*(m-1), 2, 2]
    return (logits, pair_ranges)

if __name__ == "__main__":
    import jax
    _d = setup_inputs()
    print(jax.jit(kernel)(*tuple(_d.values())))

</pallas_src>

<mosaic_0001>
#map = affine_map<(d0, d1) -> (0)>
module attributes {stable_mosaic.version = 14 : i64} {
  func.func @_sc_body(%arg0: i32, %arg1: i32, %arg2: memref<1280xf32, #tpu.memory_space<hbm>>, %arg3: memref<160xi32, #tpu.memory_space<hbm>>, %arg4: memref<63488xi32, #tpu.memory_space<hbm>>, %arg5: memref<80xf32, #tpu.memory_space<vmem>>, %arg6: memref<160xi32, #tpu.memory_space<vmem>>, %arg7: memref<32xi32, #tpu.memory_space<vmem>>, %arg8: memref<32xi32, #tpu.memory_space<vmem>>, %arg9: memref<64xi32, #tpu.memory_space<vmem>>, %arg10: memref<1984xi32, #tpu.memory_space<vmem>>) attributes {dimension_semantics = [#tpu.dimension_semantics<core_parallel>, #tpu.dimension_semantics<subcore_parallel>], iteration_bounds = array<i64: 2, 16>, scalar_prefetch = 0 : i64, scratch_operands = 6 : i64, tpu.core_type = #tpu.core_type<sc_vector_subcore>, window_params = [{transform_indices = #map}, {transform_indices = #map}, {transform_indices = #map}]} {
    %mul3A = arith.constant 2 : i32
    %mul3A_0 = arith.muli %arg1, %mul3A : i32
    %add3A = arith.addi %mul3A_0, %arg0 : i32
    %jit3A = arith.constant 16 : i32
    %eq3A = arith.constant 0 : i32
    %eq3A_1 = arith.cmpi eq, %jit3A, %eq3A : i32
    %jit3A_2 = arith.constant 1 : i32
    %select_n3A = arith.select %eq3A_1, %jit3A_2, %jit3A : i32
    %rem3A = arith.remsi %add3A, %select_n3A : i32
    %ne3A = arith.constant 0 : i32
    %ne3A_3 = arith.cmpi ne, %rem3A, %ne3A : i32
    %lt3A = arith.constant 0 : i32
    %lt3A_4 = arith.cmpi slt, %rem3A, %lt3A : i32
    %lt3A_5 = arith.constant 0 : i32
    %lt3A_6 = arith.cmpi slt, %select_n3A, %lt3A_5 : i32
    %ne3A_7 = arith.xori %lt3A_4, %lt3A_6 : i1
    %and3A = arith.andi %ne3A_7, %ne3A_3 : i1
    %add3A_8 = arith.addi %rem3A, %select_n3A : i32
    %select_n3A_9 = arith.select %and3A, %add3A_8, %rem3A : i32
    %jit3A_10 = arith.constant 16 : i32
    %div3A = arith.divsi %add3A, %jit3A_10 : i32
    %sign3A = arith.constant 0 : i32
    %sign3A_11 = arith.cmpi sgt, %add3A, %sign3A : i32
    %sign3A_12 = arith.extui %sign3A_11 : i1 to i32
    %sign3A_13 = arith.constant 0 : i32
    %sign3A_14 = arith.cmpi slt, %add3A, %sign3A_13 : i32
    %sign3A_15 = arith.extui %sign3A_14 : i1 to i32
    %sign3A_16 = arith.subi %sign3A_12, %sign3A_15 : i32
    %sign3A_17 = arith.constant 0 : i32
    %sign3A_18 = arith.cmpi sgt, %jit3A_10, %sign3A_17 : i32
    %sign3A_19 = arith.extui %sign3A_18 : i1 to i32
    %sign3A_20 = arith.constant 0 : i32
    %sign3A_21 = arith.cmpi slt, %jit3A_10, %sign3A_20 : i32
    %sign3A_22 = arith.extui %sign3A_21 : i1 to i32
    %sign3A_23 = arith.subi %sign3A_19, %sign3A_22 : i32
    %ne3A_24 = arith.cmpi ne, %sign3A_16, %sign3A_23 : i32
    %rem3A_25 = arith.remsi %add3A, %jit3A_10 : i32
    %ne3A_26 = arith.constant 0 : i32
    %ne3A_27 = arith.cmpi ne, %rem3A_25, %ne3A_26 : i32
    %and3A_28 = arith.andi %ne3A_24, %ne3A_27 : i1
    %sub3A = arith.constant 1 : i32
    %sub3A_29 = arith.subi %div3A, %sub3A : i32
    %select_n3A_30 = arith.select %and3A_28, %sub3A_29, %div3A : i32
    %mul3A_31 = arith.constant 80 : i32
    %mul3A_32 = arith.muli %select_n3A_9, %mul3A_31 : i32
    "tpu.region"() ({
      %run_scoped3A = tpu.sem_alloc : memref<!tpu.dma_semaphore, #tpu.memory_space<semaphore_mem>>
      %dma_start3A = tpu.memref_slice %arg2[%mul3A_32] : memref<1280xf32, #tpu.memory_space<hbm>> -> memref<80xf32, #tpu.memory_space<hbm>>
      %dma_start3A_89 = tpu.memref_slice %arg2[%mul3A_32] : memref<1280xf32, #tpu.memory_space<hbm>> -> memref<80xf32, #tpu.memory_space<hbm>>
      tpu.enqueue_dma source(%dma_start3A_89 : memref<80xf32, #tpu.memory_space<hbm>>) target(%arg5 : memref<80xf32, #tpu.memory_space<vmem>>) target_semaphore(%run_scoped3A : memref<!tpu.dma_semaphore, #tpu.memory_space<semaphore_mem>>)
      %dma_wait3A = tpu.memref_slice %arg2[%mul3A_32] : memref<1280xf32, #tpu.memory_space<hbm>> -> memref<80xf32, #tpu.memory_space<hbm>>
      %dma_wait3A_90 = tpu.memref_slice %arg2[%mul3A_32] : memref<1280xf32, #tpu.memory_space<hbm>> -> memref<80xf32, #tpu.memory_space<hbm>>
      tpu.wait_dma2 semaphore(%run_scoped3A : memref<!tpu.dma_semaphore, #tpu.memory_space<semaphore_mem>>) src(%dma_wait3A_90 : memref<80xf32, #tpu.memory_space<hbm>>) dst(%arg5 : memref<80xf32, #tpu.memory_space<vmem>>)
      tpu.yield
    }) : () -> ()
    "tpu.region"() ({
      %run_scoped3A = tpu.sem_alloc : memref<!tpu.dma_semaphore, #tpu.memory_space<semaphore_mem>>
      tpu.enqueue_dma source(%arg3 : memref<160xi32, #tpu.memory_space<hbm>>) target(%arg6 : memref<160xi32, #tpu.memory_space<vmem>>) target_semaphore(%run_scoped3A : memref<!tpu.dma_semaphore, #tpu.memory_space<semaphore_mem>>)
      tpu.wait_dma2 semaphore(%run_scoped3A : memref<!tpu.dma_semaphore, #tpu.memory_space<semaphore_mem>>) src(%arg3 : memref<160xi32, #tpu.memory_space<hbm>>) dst(%arg6 : memref<160xi32, #tpu.memory_space<vmem>>)
      tpu.yield
    }) : () -> ()
    %iota3A = tpu.iota {dimensions = array<i32: 0>} : vector<16xi32>
    %get3A = arith.constant 0 : index
    %get3A_33 = tpu.vector_load %arg5[%get3A] {strides = array<i32>} : memref<80xf32, #tpu.memory_space<vmem>>, vector<16xf32>,
    %get3A_34 = arith.constant 16 : index
    %get3A_35 = tpu.vector_load %arg5[%get3A_34] {strides = array<i32>} : memref<80xf32, #tpu.memory_space<vmem>>, vector<16xf32>,
    %add3A_36 = arith.constant 16 : i32
    %add3A_37 = vector.broadcast %add3A_36 : i32 to vector<16xi32>
    %add3A_38 = arith.addi %iota3A, %add3A_37 : vector<16xi32>
    %broadcast_in_dim3A = arith.constant 0 : i32
    %broadcast_in_dim3A_39 = vector.broadcast %broadcast_in_dim3A : i32 to vector<16xi32>
    %scan3A = arith.constant 0 : i32
    %scan3A_40 = arith.constant 80 : i32
    %scan3A_41 = arith.addi %scan3A, %scan3A_40 : i32
    %scan3A_42 = arith.constant 1 : i32
    %scan3A_43:2 = scf.for %scan3A_89 = %scan3A to %scan3A_41 step %scan3A_42 iter_args(%scan3A_90 = %broadcast_in_dim3A_39, %scan3A_91 = %broadcast_in_dim3A_39) -> (vector<16xi32>, vector<16xi32>)  : i32 {
      %broadcast_in_dim3A_92 = arith.constant 0 : i32
      %broadcast_in_dim3A_93 = vector.broadcast %broadcast_in_dim3A_92 : i32 to vector<16xi32>
      %add3A_94 = vector.broadcast %scan3A_89 : i32 to vector<16xi32>
      %add3A_95 = arith.addi %broadcast_in_dim3A_93, %add3A_94 : vector<16xi32>
      %gather3A_96 = tpu.vector_load_idx %arg5[%add3A_95] : memref<80xf32, #tpu.memory_space<vmem>>[vector<16xi32>], vector<16xf32>,
      %gt3A = arith.cmpf ogt, %gather3A_96, %get3A_33 : vector<16xf32>
      %eq3A_97 = arith.cmpf oeq, %gather3A_96, %get3A_33 : vector<16xf32>
      %lt3A_98 = vector.broadcast %scan3A_89 : i32 to vector<16xi32>
      %lt3A_99 = arith.cmpi slt, %lt3A_98, %iota3A : vector<16xi32>
      %and3A_100 = arith.andi %eq3A_97, %lt3A_99 : vector<16xi1>
      %or3A = arith.ori %gt3A, %and3A_100 : vector<16xi1>
      %gt3A_101 = arith.cmpf ogt, %gather3A_96, %get3A_35 : vector<16xf32>
      %eq3A_102 = arith.cmpf oeq, %gather3A_96, %get3A_35 : vector<16xf32>
      %lt3A_103 = vector.broadcast %scan3A_89 : i32 to vector<16xi32>
      %lt3A_104 = arith.cmpi slt, %lt3A_103, %add3A_38 : vector<16xi32>
      %and3A_105 = arith.andi %eq3A_102, %lt3A_104 : vector<16xi1>
      %or3A_106 = arith.ori %gt3A_101, %and3A_105 : vector<16xi1>
      %convert_element_type3A = arith.extui %or3A : vector<16xi1> to vector<16xi32>
      %add3A_107 = arith.addi %scan3A_90, %convert_element_type3A : vector<16xi32>
      %convert_element_type3A_108 = arith.extui %or3A_106 : vector<16xi1> to vector<16xi32>
      %add3A_109 = arith.addi %scan3A_91, %convert_element_type3A_108 : vector<16xi32>
      scf.yield %add3A_107, %add3A_109 : vector<16xi32>, vector<16xi32>
    }
    %scan3A_44 = arith.constant 80 : i32
    %swap3A = arith.constant 0 : index
    %swap3A_45 = tpu.vector_load %arg7[%swap3A] {strides = array<i32>} : memref<32xi32, #tpu.memory_space<vmem>>, vector<16xi32>,
    tpu.vector_store %arg7[%swap3A], %scan3A_43#0 {strides = array<i32>} : memref<32xi32, #tpu.memory_space<vmem>>, vector<16xi32>,
    %swap3A_46 = arith.constant 16 : index
    %swap3A_47 = tpu.vector_load %arg7[%swap3A_46] {strides = array<i32>} : memref<32xi32, #tpu.memory_space<vmem>>, vector<16xi32>,
    tpu.vector_store %arg7[%swap3A_46], %scan3A_43#1 {strides = array<i32>} : memref<32xi32, #tpu.memory_space<vmem>>, vector<16xi32>,
    %scan3A_48 = arith.constant 0 : i32
    %scan3A_49 = arith.constant 32 : i32
    %scan3A_50 = arith.addi %scan3A_48, %scan3A_49 : i32
    %scan3A_51 = arith.constant 1 : i32
    %scan3A_52:2 = scf.for %scan3A_89 = %scan3A_48 to %scan3A_50 step %scan3A_51 iter_args(%scan3A_90 = %broadcast_in_dim3A_39, %scan3A_91 = %broadcast_in_dim3A_39) -> (vector<16xi32>, vector<16xi32>)  : i32 {
      %broadcast_in_dim3A_92 = arith.constant 0 : i32
      %broadcast_in_dim3A_93 = vector.broadcast %broadcast_in_dim3A_92 : i32 to vector<16xi32>
      %add3A_94 = vector.broadcast %scan3A_89 : i32 to vector<16xi32>
      %add3A_95 = arith.addi %broadcast_in_dim3A_93, %add3A_94 : vector<16xi32>
      %gather3A_96 = tpu.vector_load_idx %arg7[%add3A_95] : memref<32xi32, #tpu.memory_space<vmem>>[vector<16xi32>], vector<16xi32>,
      %lt3A_97 = arith.cmpi slt, %gather3A_96, %scan3A_43#0 : vector<16xi32>
      %convert_element_type3A = arith.extui %lt3A_97 : vector<16xi1> to vector<16xi32>
      %add3A_98 = arith.addi %scan3A_90, %convert_element_type3A : vector<16xi32>
      %lt3A_99 = arith.cmpi slt, %gather3A_96, %scan3A_43#1 : vector<16xi32>
      %convert_element_type3A_100 = arith.extui %lt3A_99 : vector<16xi1> to vector<16xi32>
      %add3A_101 = arith.addi %scan3A_91, %convert_element_type3A_100 : vector<16xi32>
      scf.yield %add3A_98, %add3A_101 : vector<16xi32>, vector<16xi32>
    }
    %scan3A_53 = arith.constant 32 : i32
    tpu.vector_store_idx %arg8[%scan3A_52#0], %scan3A_43#0 : memref<32xi32, #tpu.memory_space<vmem>>[vector<16xi32>], vector<16xi32>,
    tpu.vector_store_idx %arg8[%scan3A_52#1], %scan3A_43#1 : memref<32xi32, #tpu.memory_space<vmem>>[vector<16xi32>], vector<16xi32>,
    %get3A_54 = arith.constant 0 : index
    %get3A_55 = tpu.vector_load %arg8[%get3A_54] {strides = array<i32>} : memref<32xi32, #tpu.memory_space<vmem>>, vector<16xi32>,
    %gather3A = tpu.vector_load_idx %arg6[%get3A_55] : memref<160xi32, #tpu.memory_space<vmem>>[vector<16xi32>], vector<16xi32>,
    %swap3A_56 = arith.constant 0 : index
    %swap3A_57 = tpu.vector_load %arg9[%swap3A_56] {strides = array<i32>} : memref<64xi32, #tpu.memory_space<vmem>>, vector<16xi32>,
    tpu.vector_store %arg9[%swap3A_56], %gather3A {strides = array<i32>} : memref<64xi32, #tpu.memory_space<vmem>>, vector<16xi32>,
    %add3A_58 = arith.constant 80 : i32
    %add3A_59 = vector.broadcast %add3A_58 : i32 to vector<16xi32>
    %add3A_60 = arith.addi %get3A_55, %add3A_59 : vector<16xi32>
    %gather3A_61 = tpu.vector_load_idx %arg6[%add3A_60] : memref<160xi32, #tpu.memory_space<vmem>>[vector<16xi32>], vector<16xi32>,
    %swap3A_62 = arith.constant 32 : index
    %swap3A_63 = tpu.vector_load %arg9[%swap3A_62] {strides = array<i32>} : memref<64xi32, #tpu.memory_space<vmem>>, vector<16xi32>,
    tpu.vector_store %arg9[%swap3A_62], %gather3A_61 {strides = array<i32>} : memref<64xi32, #tpu.memory_space<vmem>>, vector<16xi32>,
    %get3A_64 = arith.constant 16 : index
    %get3A_65 = tpu.vector_load %arg8[%get3A_64] {strides = array<i32>} : memref<32xi32, #tpu.memory_space<vmem>>, vector<16xi32>,
    %gather3A_66 = tpu.vector_load_idx %arg6[%get3A_65] : memref<160xi32, #tpu.memory_space<vmem>>[vector<16xi32>], vector<16xi32>,
    %swap3A_67 = arith.constant 16 : index
    %swap3A_68 = tpu.vector_load %arg9[%swap3A_67] {strides = array<i32>} : memref<64xi32, #tpu.memory_space<vmem>>, vector<16xi32>,
    tpu.vector_store %arg9[%swap3A_67], %gather3A_66 {strides = array<i32>} : memref<64xi32, #tpu.memory_space<vmem>>, vector<16xi32>,
    %add3A_69 = arith.constant 80 : i32
    %add3A_70 = vector.broadcast %add3A_69 : i32 to vector<16xi32>
    %add3A_71 = arith.addi %get3A_65, %add3A_70 : vector<16xi32>
    %gather3A_72 = tpu.vector_load_idx %arg6[%add3A_71] : memref<160xi32, #tpu.memory_space<vmem>>[vector<16xi32>], vector<16xi32>,
    %swap3A_73 = arith.constant 48 : index
    %swap3A_74 = tpu.vector_load %arg9[%swap3A_73] {strides = array<i32>} : memref<64xi32, #tpu.memory_space<vmem>>, vector<16xi32>,
    tpu.vector_store %arg9[%swap3A_73], %gather3A_72 {strides = array<i32>} : memref<64xi32, #tpu.memory_space<vmem>>, vector<16xi32>,
    %mul3A_75 = arith.constant 31 : i32
    %mul3A_76 = arith.muli %select_n3A_30, %mul3A_75 : i32
    %scan3A_77 = arith.constant 0 : i32
    %scan3A_78 = arith.constant 0 : i32
    %scan3A_79 = arith.constant 31 : i32
    %scan3A_80 = arith.addi %scan3A_78, %scan3A_79 : i32
    %scan3A_81 = arith.constant 1 : i32
    %scan3A_82 = scf.for %scan3A_89 = %scan3A_78 to %scan3A_80 step %scan3A_81 iter_args(%scan3A_90 = %scan3A_77) -> (i32)  : i32 {
      %add3A_91 = arith.addi %mul3A_76, %scan3A_89 : i32
      %mul3A_92 = arith.constant 16 : i32
      %mul3A_93 = arith.muli %add3A_91, %mul3A_92 : i32
      %add3A_94 = vector.broadcast %mul3A_93 : i32 to vector<16xi32>
      %add3A_95 = arith.addi %add3A_94, %iota3A : vector<16xi32>
      %jit3A_96 = arith.constant 31 : i32
      %div3A_97 = vector.broadcast %jit3A_96 : i32 to vector<16xi32>
      %div3A_98 = arith.divsi %add3A_95, %div3A_97 : vector<16xi32>
      %sign3A_99 = arith.constant 0 : i32
      %sign3A_100 = vector.broadcast %sign3A_99 : i32 to vector<16xi32>
      %sign3A_101 = arith.cmpi sgt, %add3A_95, %sign3A_100 : vector<16xi32>
      %sign3A_102 = arith.extui %sign3A_101 : vector<16xi1> to vector<16xi32>
      %sign3A_103 = arith.constant 0 : i32
      %sign3A_104 = vector.broadcast %sign3A_103 : i32 to vector<16xi32>
      %sign3A_105 = arith.cmpi slt, %add3A_95, %sign3A_104 : vector<16xi32>
      %sign3A_106 = arith.extui %sign3A_105 : vector<16xi1> to vector<16xi32>
      %sign3A_107 = arith.subi %sign3A_102, %sign3A_106 : vector<16xi32>
      %sign3A_108 = arith.constant 0 : i32
      %sign3A_109 = arith.cmpi sgt, %jit3A_96, %sign3A_108 : i32
      %sign3A_110 = arith.extui %sign3A_109 : i1 to i32
      %sign3A_111 = arith.constant 0 : i32
      %sign3A_112 = arith.cmpi slt, %jit3A_96, %sign3A_111 : i32
      %sign3A_113 = arith.extui %sign3A_112 : i1 to i32
      %sign3A_114 = arith.subi %sign3A_110, %sign3A_113 : i32
      %ne3A_115 = vector.broadcast %sign3A_114 : i32 to vector<16xi32>
      %ne3A_116 = arith.cmpi ne, %sign3A_107, %ne3A_115 : vector<16xi32>
      %rem3A_117 = vector.broadcast %jit3A_96 : i32 to vector<16xi32>
      %rem3A_118 = arith.remsi %add3A_95, %rem3A_117 : vector<16xi32>
      %ne3A_119 = arith.constant 0 : i32
      %ne3A_120 = vector.broadcast %ne3A_119 : i32 to vector<16xi32>
      %ne3A_121 = arith.cmpi ne, %rem3A_118, %ne3A_120 : vector<16xi32>
      %and3A_122 = arith.andi %ne3A_116, %ne3A_121 : vector<16xi1>
      %sub3A_123 = arith.constant 1 : i32
      %sub3A_124 = vector.broadcast %sub3A_123 : i32 to vector<16xi32>
      %sub3A_125 = arith.subi %div3A_98, %sub3A_124 : vector<16xi32>
      %select_n3A_126 = arith.select %and3A_122, %sub3A_125, %div3A_98 : vector<16xi1>, vector<16xi32>
      %jit3A_127 = arith.constant 31 : i32
      %eq3A_128 = arith.constant 0 : i32
      %eq3A_129 = arith.cmpi eq, %jit3A_127, %eq3A_128 : i32
      %jit3A_130 = arith.constant 1 : i32
      %select_n3A_131 = arith.select %eq3A_129, %jit3A_130, %jit3A_127 : i32
      %rem3A_132 = vector.broadcast %select_n3A_131 : i32 to vector<16xi32>
      %rem3A_133 = arith.remsi %add3A_95, %rem3A_132 : vector<16xi32>
      %ne3A_134 = arith.constant 0 : i32
      %ne3A_135 = vector.broadcast %ne3A_134 : i32 to vector<16xi32>
      %ne3A_136 = arith.cmpi ne, %rem3A_133, %ne3A_135 : vector<16xi32>
      %lt3A_137 = arith.constant 0 : i32
      %lt3A_138 = vector.broadcast %lt3A_137 : i32 to vector<16xi32>
      %lt3A_139 = arith.cmpi slt, %rem3A_133, %lt3A_138 : vector<16xi32>
      %lt3A_140 = arith.constant 0 : i32
      %lt3A_141 = arith.cmpi slt, %select_n3A_131, %lt3A_140 : i32
      %ne3A_142 = vector.broadcast %lt3A_141 : i1 to vector<16xi1>
      %ne3A_143 = vector.broadcast %ne3A_142 : vector<16xi1> to vector<16xi1>
      %ne3A_144 = arith.xori %lt3A_139, %ne3A_143 : vector<16xi1>
      %and3A_145 = arith.andi %ne3A_144, %ne3A_136 : vector<16xi1>
      %add3A_146 = vector.broadcast %select_n3A_131 : i32 to vector<16xi32>
      %add3A_147 = arith.addi %rem3A_133, %add3A_146 : vector<16xi32>
      %select_n3A_148 = arith.select %and3A_145, %add3A_147, %rem3A_133 : vector<16xi1>, vector<16xi32>
      %ge3A = arith.cmpi sge, %select_n3A_148, %select_n3A_126 : vector<16xi32>
      %convert_element_type3A = arith.extui %ge3A : vector<16xi1> to vector<16xi32>
      %add3A_149 = arith.addi %select_n3A_148, %convert_element_type3A : vector<16xi32>
      %gather3A_150 = tpu.vector_load_idx %arg9[%select_n3A_126] : memref<64xi32, #tpu.memory_space<vmem>>[vector<16xi32>], vector<16xi32>,
      %add3A_151 = arith.constant 32 : i32
      %add3A_152 = vector.broadcast %add3A_151 : i32 to vector<16xi32>
      %add3A_153 = arith.addi %select_n3A_126, %add3A_152 : vector<16xi32>
      %gather3A_154 = tpu.vector_load_idx %arg9[%add3A_153] : memref<64xi32, #tpu.memory_space<vmem>>[vector<16xi32>], vector<16xi32>,
      %gather3A_155 = tpu.vector_load_idx %arg9[%add3A_149] : memref<64xi32, #tpu.memory_space<vmem>>[vector<16xi32>], vector<16xi32>,
      %add3A_156 = arith.constant 32 : i32
      %add3A_157 = vector.broadcast %add3A_156 : i32 to vector<16xi32>
      %add3A_158 = arith.addi %add3A_149, %add3A_157 : vector<16xi32>
      %gather3A_159 = tpu.vector_load_idx %arg9[%add3A_158] : memref<64xi32, #tpu.memory_space<vmem>>[vector<16xi32>], vector<16xi32>,
      %mul3A_160 = arith.constant 4 : i32
      %mul3A_161 = vector.broadcast %mul3A_160 : i32 to vector<16xi32>
      %mul3A_162 = arith.muli %mul3A_161, %add3A_95 : vector<16xi32>
      %mul3A_163 = arith.constant 1984 : i32
      %mul3A_164 = arith.muli %mul3A_163, %select_n3A_30 : i32
      %sub3A_165 = vector.broadcast %mul3A_164 : i32 to vector<16xi32>
      %sub3A_166 = arith.subi %mul3A_162, %sub3A_165 : vector<16xi32>
      tpu.vector_store_idx %arg10[%sub3A_166], %gather3A_150 : memref<1984xi32, #tpu.memory_space<vmem>>[vector<16xi32>], vector<16xi32>,
      %add3A_167 = arith.constant 1 : i32
      %add3A_168 = vector.broadcast %add3A_167 : i32 to vector<16xi32>
      %add3A_169 = arith.addi %sub3A_166, %add3A_168 : vector<16xi32>
      tpu.vector_store_idx %arg10[%add3A_169], %gather3A_154 : memref<1984xi32, #tpu.memory_space<vmem>>[vector<16xi32>], vector<16xi32>,
      %add3A_170 = arith.constant 2 : i32
      %add3A_171 = vector.broadcast %add3A_170 : i32 to vector<16xi32>
      %add3A_172 = arith.addi %sub3A_166, %add3A_171 : vector<16xi32>
      tpu.vector_store_idx %arg10[%add3A_172], %gather3A_155 : memref<1984xi32, #tpu.memory_space<vmem>>[vector<16xi32>], vector<16xi32>,
      %add3A_173 = arith.constant 3 : i32
      %add3A_174 = vector.broadcast %add3A_173 : i32 to vector<16xi32>
      %add3A_175 = arith.addi %sub3A_166, %add3A_174 : vector<16xi32>
      tpu.vector_store_idx %arg10[%add3A_175], %gather3A_159 : memref<1984xi32, #tpu.memory_space<vmem>>[vector<16xi32>], vector<16xi32>,
      %scan3A_176 = arith.constant 0 : i32
      scf.yield %scan3A_176 : i32
    }
    %scan3A_83 = arith.constant 31 : i32
    %mul3A_84 = arith.constant 3968 : i32
    %mul3A_85 = arith.muli %select_n3A_9, %mul3A_84 : i32
    %mul3A_86 = arith.constant 1984 : i32
    %mul3A_87 = arith.muli %select_n3A_30, %mul3A_86 : i32
    %add3A_88 = arith.addi %mul3A_85, %mul3A_87 : i32
    "tpu.region"() ({
      %run_scoped3A = tpu.sem_alloc : memref<!tpu.dma_semaphore, #tpu.memory_space<semaphore_mem>>
      %dma_start3A = tpu.memref_slice %arg4[%add3A_88] : memref<63488xi32, #tpu.memory_space<hbm>> -> memref<1984xi32, #tpu.memory_space<hbm>>
      %dma_start3A_89 = tpu.memref_slice %arg4[%add3A_88] : memref<63488xi32, #tpu.memory_space<hbm>> -> memref<1984xi32, #tpu.memory_space<hbm>>
      tpu.enqueue_dma source(%arg10 : memref<1984xi32, #tpu.memory_space<vmem>>) target(%dma_start3A_89 : memref<1984xi32, #tpu.memory_space<hbm>>) target_semaphore(%run_scoped3A : memref<!tpu.dma_semaphore, #tpu.memory_space<semaphore_mem>>)
      %dma_wait3A = tpu.memref_slice %arg4[%add3A_88] : memref<63488xi32, #tpu.memory_space<hbm>> -> memref<1984xi32, #tpu.memory_space<hbm>>
      %dma_wait3A_90 = tpu.memref_slice %arg4[%add3A_88] : memref<63488xi32, #tpu.memory_space<hbm>> -> memref<1984xi32, #tpu.memory_space<hbm>>
      tpu.wait_dma2 semaphore(%run_scoped3A : memref<!tpu.dma_semaphore, #tpu.memory_space<semaphore_mem>>) src(%arg10 : memref<1984xi32, #tpu.memory_space<vmem>>) dst(%dma_wait3A_90 : memref<1984xi32, #tpu.memory_space<hbm>>)
      tpu.yield
    }) : () -> ()
    return
  }
}

module attributes {stable_mosaic.version = 14 : i64} {
  func.func @_tc_body(%arg0: i32, %arg1: memref<1x80x768xf32, #tpu.memory_space<vmem>>, %arg2: memref<1x1x80xf32, #tpu.memory_space<vmem>>, %arg3: memref<768x3xf32, #tpu.memory_space<vmem>>, %arg4: memref<768x3xf32, #tpu.memory_space<vmem>>, %arg5: memref<3x768xf32, #tpu.memory_space<vmem>>, %arg6: memref<1x3xf32, #tpu.memory_space<vmem>>, %arg7: memref<1x3x32x32xf32, #tpu.memory_space<vmem>>) attributes {dimension_semantics = [#tpu.dimension_semantics<arbitrary>], iteration_bounds = array<i64: 16>, scalar_prefetch = 0 : i64, scratch_operands = 0 : i64, tpu.core_type = #tpu.core_type<tc>, window_params = [{transform_indices = @transform_0, window_bounds = array<i64: 1, 80, 768>}, {transform_indices = @transform_1, window_bounds = array<i64: 1, 1, 80>}, {pipeline_mode = #tpu.pipeline_mode<synchronous>, transform_indices = @transform_2, window_bounds = array<i64: 768, 3>}, {pipeline_mode = #tpu.pipeline_mode<synchronous>, transform_indices = @transform_3, window_bounds = array<i64: 768, 3>}, {pipeline_mode = #tpu.pipeline_mode<synchronous>, transform_indices = @transform_4, window_bounds = array<i64: 3, 768>}, {pipeline_mode = #tpu.pipeline_mode<synchronous>, transform_indices = @transform_5, window_bounds = array<i64: 1, 3>}, {transform_indices = @transform_6, window_bounds = array<i64: 1, 3, 32, 32>}]} {
    %get3A = arith.constant 0 : index
    %get3A_0 = arith.constant 0 : index
    %get3A_1 = arith.constant 0 : index
    %get3A_2 = vector.load %arg1[%get3A, %get3A_0, %get3A_1] : memref<1x80x768xf32, #tpu.memory_space<vmem>>, vector<1x80x768xf32>
    %get3A_3 = vector.shape_cast %get3A_2 : vector<1x80x768xf32> to vector<80x768xf32>
    %get3A_4 = arith.constant 0 : index
    %get3A_5 = arith.constant 0 : index
    %get3A_6 = arith.constant 0 : index
    %get3A_7 = vector.load %arg2[%get3A_4, %get3A_5, %get3A_6] : memref<1x1x80xf32, #tpu.memory_space<vmem>>, vector<1x1x80xf32>
    %get3A_8 = vector.shape_cast %get3A_7 : vector<1x1x80xf32> to vector<1x80xf32>
    %iota3A = tpu.iota {dimensions = array<i32: 0>} : vector<80x80xi32>
    %iota3A_9 = tpu.iota {dimensions = array<i32: 1>} : vector<80x80xi32>
    %eq3A = arith.cmpi eq, %iota3A, %iota3A_9 : vector<80x80xi32>
    %convert_element_type3A = arith.extui %eq3A : vector<80x80xi1> to vector<80x80xi32>
    %convert_element_type3A_10 = arith.sitofp %convert_element_type3A : vector<80x80xi32> to vector<80x80xf32>
    %dot_general3A = arith.constant dense<0.000000e+00> : vector<80x1xf32>
    %dot_general3A_11 = tpu.matmul %convert_element_type3A_10, %get3A_8, %dot_general3A {dimension_numbers = #tpu.dot_dimension_numbers<[1], [1], [0], [0], [0, 0, 1, 0], [], []>, precision = #tpu.contract_precision<fp32>, transpose_lhs_hint = false} : vector<80x80xf32>, vector<1x80xf32>, vector<80x1xf32> -> vector<80x1xf32>
    %iota3A_12 = tpu.iota {dimensions = array<i32: 0>} : vector<80x80xi32>
    %iota3A_13 = tpu.iota {dimensions = array<i32: 1>} : vector<80x80xi32>
    %gt3A = vector.broadcast %get3A_8 : vector<1x80xf32> to vector<80x80xf32>
    %gt3A_14 = vector.broadcast %dot_general3A_11 : vector<80x1xf32> to vector<80x80xf32>
    %gt3A_15 = arith.cmpf ogt, %gt3A, %gt3A_14 : vector<80x80xf32>
    %eq3A_16 = vector.broadcast %get3A_8 : vector<1x80xf32> to vector<80x80xf32>
    %eq3A_17 = vector.broadcast %dot_general3A_11 : vector<80x1xf32> to vector<80x80xf32>
    %eq3A_18 = arith.cmpf oeq, %eq3A_16, %eq3A_17 : vector<80x80xf32>
    %lt3A = arith.cmpi slt, %iota3A_13, %iota3A_12 : vector<80x80xi32>
    %and3A = arith.andi %eq3A_18, %lt3A : vector<80x80xi1>
    %or3A = arith.ori %gt3A_15, %and3A : vector<80x80xi1>
    %convert_element_type3A_19 = arith.extui %or3A : vector<80x80xi1> to vector<80x80xi32>
    %convert_element_type3A_20 = arith.sitofp %convert_element_type3A_19 : vector<80x80xi32> to vector<80x80xf32>
    %reduce_sum3A = arith.constant dense<0.000000e+00> : vector<80xf32>
    %reduce_sum3A_21 = vector.multi_reduction <add>, %convert_element_type3A_20, %reduce_sum3A [1] : vector<80x80xf32> to vector<80xf32>
    %broadcast_in_dim3A = vector.shape_cast %reduce_sum3A_21 : vector<80xf32> to vector<80x1xf32>
    %slice3A = vector.extract_strided_slice %broadcast_in_dim3A {offsets = [0, 0], sizes = [32, 1], strides = [1, 1]} : vector<80x1xf32> to vector<32x1xf32>
    %iota3A_22 = tpu.iota {dimensions = array<i32: 0>} : vector<32x32xi32>
    %iota3A_23 = tpu.iota {dimensions = array<i32: 1>} : vector<32x32xi32>
    %eq3A_24 = arith.cmpi eq, %iota3A_22, %iota3A_23 : vector<32x32xi32>
    %convert_element_type3A_25 = arith.extui %eq3A_24 : vector<32x32xi1> to vector<32x32xi32>
    %convert_element_type3A_26 = arith.sitofp %convert_element_type3A_25 : vector<32x32xi32> to vector<32x32xf32>
    %dot_general3A_27 = arith.constant dense<0.000000e+00> : vector<1x32xf32>
    %dot_general3A_28 = tpu.matmul %slice3A, %convert_element_type3A_26, %dot_general3A_27 {dimension_numbers = #tpu.dot_dimension_numbers<[0], [0], [1], [1], [0, 1, 1, 1], [], []>, precision = #tpu.contract_precision<fp32>, transpose_lhs_hint = false} : vector<32x1xf32>, vector<32x32xf32>, vector<1x32xf32> -> vector<1x32xf32>
    %lt3A_29 = vector.broadcast %dot_general3A_28 : vector<1x32xf32> to vector<32x32xf32>
    %lt3A_30 = vector.broadcast %slice3A : vector<32x1xf32> to vector<32x32xf32>
    %lt3A_31 = arith.cmpf olt, %lt3A_29, %lt3A_30 : vector<32x32xf32>
    %convert_element_type3A_32 = arith.extui %lt3A_31 : vector<32x32xi1> to vector<32x32xi32>
    %convert_element_type3A_33 = arith.sitofp %convert_element_type3A_32 : vector<32x32xi32> to vector<32x32xf32>
    %reduce_sum3A_34 = arith.constant dense<0.000000e+00> : vector<32xf32>
    %reduce_sum3A_35 = vector.multi_reduction <add>, %convert_element_type3A_33, %reduce_sum3A_34 [1] : vector<32x32xf32> to vector<32xf32>
    %broadcast_in_dim3A_36 = vector.shape_cast %reduce_sum3A_35 : vector<32xf32> to vector<32x1xf32>
    %iota3A_37 = tpu.iota {dimensions = array<i32: 1>} : vector<32x32xi32>
    %convert_element_type3A_38 = arith.sitofp %iota3A_37 : vector<32x32xi32> to vector<32x32xf32>
    %eq3A_39 = vector.broadcast %broadcast_in_dim3A_36 : vector<32x1xf32> to vector<32x32xf32>
    %eq3A_40 = arith.cmpf oeq, %eq3A_39, %convert_element_type3A_38 : vector<32x32xf32>
    %convert_element_type3A_41 = arith.extui %eq3A_40 : vector<32x32xi1> to vector<32x32xi32>
    %convert_element_type3A_42 = arith.sitofp %convert_element_type3A_41 : vector<32x32xi32> to vector<32x32xf32>
    %iota3A_43 = tpu.iota {dimensions = array<i32: 1>} : vector<32x80xi32>
    %convert_element_type3A_44 = arith.sitofp %iota3A_43 : vector<32x80xi32> to vector<32x80xf32>
    %eq3A_45 = vector.broadcast %slice3A : vector<32x1xf32> to vector<32x80xf32>
    %eq3A_46 = arith.cmpf oeq, %eq3A_45, %convert_element_type3A_44 : vector<32x80xf32>
    %convert_element_type3A_47 = arith.extui %eq3A_46 : vector<32x80xi1> to vector<32x80xi32>
    %convert_element_type3A_48 = arith.sitofp %convert_element_type3A_47 : vector<32x80xi32> to vector<32x80xf32>
    %dot_general3A_49 = arith.constant dense<0.000000e+00> : vector<32x80xf32>
    %dot_general3A_50 = tpu.matmul %convert_element_type3A_42, %convert_element_type3A_48, %dot_general3A_49 {dimension_numbers = #tpu.dot_dimension_numbers<[0], [0], [1], [1], [0, 1, 1, 1], [], []>, precision = #tpu.contract_precision<fp32>, transpose_lhs_hint = false} : vector<32x32xf32>, vector<32x80xf32>, vector<32x80xf32> -> vector<32x80xf32>
    %dot_general3A_51 = arith.constant dense<0.000000e+00> : vector<32x768xf32>
    %dot_general3A_52 = tpu.matmul %dot_general3A_50, %get3A_3, %dot_general3A_51 {dimension_numbers = #tpu.dot_dimension_numbers<[1], [0], [0], [1], [0, 0, 1, 1], [], []>, precision = #tpu.contract_precision<fp32>, transpose_lhs_hint = false} : vector<32x80xf32>, vector<80x768xf32>, vector<32x768xf32> -> vector<32x768xf32>
    %get3A_53 = arith.constant 0 : index
    %get3A_54 = arith.constant 0 : index
    %get3A_55 = vector.load %arg3[%get3A_53, %get3A_54] : memref<768x3xf32, #tpu.memory_space<vmem>>, vector<768x3xf32>
    %dot_general3A_56 = arith.constant dense<0.000000e+00> : vector<32x3xf32>
    %dot_general3A_57 = tpu.matmul %dot_general3A_52, %get3A_55, %dot_general3A_56 {dimension_numbers = #tpu.dot_dimension_numbers<[1], [0], [0], [1], [0, 0, 1, 1], [], []>, precision = #tpu.contract_precision<fp32>, transpose_lhs_hint = false} : vector<32x768xf32>, vector<768x3xf32>, vector<32x3xf32> -> vector<32x3xf32>
    %get3A_58 = arith.constant 0 : index
    %get3A_59 = arith.constant 0 : index
    %get3A_60 = vector.load %arg4[%get3A_58, %get3A_59] : memref<768x3xf32, #tpu.memory_space<vmem>>, vector<768x3xf32>
    %dot_general3A_61 = arith.constant dense<0.000000e+00> : vector<3x32xf32>
    %dot_general3A_62 = tpu.matmul %get3A_60, %dot_general3A_52, %dot_general3A_61 {dimension_numbers = #tpu.dot_dimension_numbers<[0], [1], [1], [0], [0, 1, 1, 0], [], []>, precision = #tpu.contract_precision<fp32>, transpose_lhs_hint = false} : vector<768x3xf32>, vector<32x768xf32>, vector<3x32xf32> -> vector<3x32xf32>
    %get3A_63 = arith.constant 0 : index
    %get3A_64 = arith.constant 0 : index
    %get3A_65 = vector.load %arg6[%get3A_63, %get3A_64] : memref<1x3xf32, #tpu.memory_space<vmem>>, vector<1x3xf32>
    %get3A_66 = arith.constant 0 : index
    %get3A_67 = arith.constant 0 : index
    %get3A_68 = vector.load %arg5[%get3A_66, %get3A_67] : memref<3x768xf32, #tpu.memory_space<vmem>>, vector<1x768xf32>
    %mul3A = vector.broadcast %get3A_68 : vector<1x768xf32> to vector<32x768xf32>
    %mul3A_69 = arith.mulf %dot_general3A_52, %mul3A : vector<32x768xf32>
    %dot_general3A_70 = arith.constant dense<0.000000e+00> : vector<32x32xf32>
    %dot_general3A_71 = tpu.matmul %mul3A_69, %dot_general3A_52, %dot_general3A_70 {dimension_numbers = #tpu.dot_dimension_numbers<[1], [1], [0], [0], [0, 0, 1, 0], [], []>, precision = #tpu.contract_precision<fp32>, transpose_lhs_hint = false} : vector<32x768xf32>, vector<32x768xf32>, vector<32x32xf32> -> vector<32x32xf32>
    %slice3A_72 = vector.extract_strided_slice %dot_general3A_57 {offsets = [0, 0], sizes = [32, 1], strides = [1, 1]} : vector<32x3xf32> to vector<32x1xf32>
    %add3A = vector.broadcast %slice3A_72 : vector<32x1xf32> to vector<32x32xf32>
    %add3A_73 = arith.addf %dot_general3A_71, %add3A : vector<32x32xf32>
    %slice3A_74 = vector.extract_strided_slice %dot_general3A_62 {offsets = [0, 0], sizes = [1, 32], strides = [1, 1]} : vector<3x32xf32> to vector<1x32xf32>
    %add3A_75 = vector.broadcast %slice3A_74 : vector<1x32xf32> to vector<32x32xf32>
    %add3A_76 = arith.addf %add3A_73, %add3A_75 : vector<32x32xf32>
    %slice3A_77 = vector.extract_strided_slice %get3A_65 {offsets = [0, 0], sizes = [1, 1], strides = [1, 1]} : vector<1x3xf32> to vector<1x1xf32>
    %squeeze3A = vector.extract %slice3A_77[0, 0] : f32 from vector<1x1xf32>
    %add3A_78 = vector.broadcast %squeeze3A : f32 to vector<32x32xf32>
    %add3A_79 = arith.addf %add3A_76, %add3A_78 : vector<32x32xf32>
    %logistic3A = arith.negf %add3A_79 : vector<32x32xf32>
    %logistic3A_80 = math.exp %logistic3A : vector<32x32xf32>
    %logistic3A_81 = arith.constant 1.000000e+00 : f32
    %logistic3A_82 = vector.broadcast %logistic3A_81 : f32 to vector<32x32xf32>
    %logistic3A_83 = arith.addf %logistic3A_82, %logistic3A_80 : vector<32x32xf32>
    %logistic3A_84 = arith.divf %logistic3A_82, %logistic3A_83 : vector<32x32xf32>
    %get3A_85 = arith.constant 1 : index
    %get3A_86 = arith.constant 0 : index
    %get3A_87 = vector.load %arg5[%get3A_85, %get3A_86] : memref<3x768xf32, #tpu.memory_space<vmem>>, vector<1x768xf32>
    %mul3A_88 = vector.broadcast %get3A_87 : vector<1x768xf32> to vector<32x768xf32>
    %mul3A_89 = arith.mulf %dot_general3A_52, %mul3A_88 : vector<32x768xf32>
    %dot_general3A_90 = arith.constant dense<0.000000e+00> : vector<32x32xf32>
    %dot_general3A_91 = tpu.matmul %mul3A_89, %dot_general3A_52, %dot_general3A_90 {dimension_numbers = #tpu.dot_dimension_numbers<[1], [1], [0], [0], [0, 0, 1, 0], [], []>, precision = #tpu.contract_precision<fp32>, transpose_lhs_hint = false} : vector<32x768xf32>, vector<32x768xf32>, vector<32x32xf32> -> vector<32x32xf32>
    %slice3A_92 = vector.extract_strided_slice %dot_general3A_57 {offsets = [0, 1], sizes = [32, 1], strides = [1, 1]} : vector<32x3xf32> to vector<32x1xf32>
    %add3A_93 = vector.broadcast %slice3A_92 : vector<32x1xf32> to vector<32x32xf32>
    %add3A_94 = arith.addf %dot_general3A_91, %add3A_93 : vector<32x32xf32>
    %slice3A_95 = vector.extract_strided_slice %dot_general3A_62 {offsets = [1, 0], sizes = [1, 32], strides = [1, 1]} : vector<3x32xf32> to vector<1x32xf32>
    %add3A_96 = vector.broadcast %slice3A_95 : vector<1x32xf32> to vector<32x32xf32>
    %add3A_97 = arith.addf %add3A_94, %add3A_96 : vector<32x32xf32>
    %slice3A_98 = vector.extract_strided_slice %get3A_65 {offsets = [0, 1], sizes = [1, 1], strides = [1, 1]} : vector<1x3xf32> to vector<1x1xf32>
    %squeeze3A_99 = vector.extract %slice3A_98[0, 0] : f32 from vector<1x1xf32>
    %add3A_100 = vector.broadcast %squeeze3A_99 : f32 to vector<32x32xf32>
    %add3A_101 = arith.addf %add3A_97, %add3A_100 : vector<32x32xf32>
    %logistic3A_102 = arith.negf %add3A_101 : vector<32x32xf32>
    %logistic3A_103 = math.exp %logistic3A_102 : vector<32x32xf32>
    %logistic3A_104 = arith.constant 1.000000e+00 : f32
    %logistic3A_105 = vector.broadcast %logistic3A_104 : f32 to vector<32x32xf32>
    %logistic3A_106 = arith.addf %logistic3A_105, %logistic3A_103 : vector<32x32xf32>
    %logistic3A_107 = arith.divf %logistic3A_105, %logistic3A_106 : vector<32x32xf32>
    %get3A_108 = arith.constant 2 : index
    %get3A_109 = arith.constant 0 : index
    %get3A_110 = vector.load %arg5[%get3A_108, %get3A_109] : memref<3x768xf32, #tpu.memory_space<vmem>>, vector<1x768xf32>
    %mul3A_111 = vector.broadcast %get3A_110 : vector<1x768xf32> to vector<32x768xf32>
    %mul3A_112 = arith.mulf %dot_general3A_52, %mul3A_111 : vector<32x768xf32>
    %dot_general3A_113 = arith.constant dense<0.000000e+00> : vector<32x32xf32>
    %dot_general3A_114 = tpu.matmul %mul3A_112, %dot_general3A_52, %dot_general3A_113 {dimension_numbers = #tpu.dot_dimension_numbers<[1], [1], [0], [0], [0, 0, 1, 0], [], []>, precision = #tpu.contract_precision<fp32>, transpose_lhs_hint = false} : vector<32x768xf32>, vector<32x768xf32>, vector<32x32xf32> -> vector<32x32xf32>
    %slice3A_115 = vector.extract_strided_slice %dot_general3A_57 {offsets = [0, 2], sizes = [32, 1], strides = [1, 1]} : vector<32x3xf32> to vector<32x1xf32>
    %add3A_116 = vector.broadcast %slice3A_115 : vector<32x1xf32> to vector<32x32xf32>
    %add3A_117 = arith.addf %dot_general3A_114, %add3A_116 : vector<32x32xf32>
    %slice3A_118 = vector.extract_strided_slice %dot_general3A_62 {offsets = [2, 0], sizes = [1, 32], strides = [1, 1]} : vector<3x32xf32> to vector<1x32xf32>
    %add3A_119 = vector.broadcast %slice3A_118 : vector<1x32xf32> to vector<32x32xf32>
    %add3A_120 = arith.addf %add3A_117, %add3A_119 : vector<32x32xf32>
    %slice3A_121 = vector.extract_strided_slice %get3A_65 {offsets = [0, 2], sizes = [1, 1], strides = [1, 1]} : vector<1x3xf32> to vector<1x1xf32>
    %squeeze3A_122 = vector.extract %slice3A_121[0, 0] : f32 from vector<1x1xf32>
    %add3A_123 = vector.broadcast %squeeze3A_122 : f32 to vector<32x32xf32>
    %add3A_124 = arith.addf %add3A_120, %add3A_123 : vector<32x32xf32>
    %logistic3A_125 = arith.negf %add3A_124 : vector<32x32xf32>
    %logistic3A_126 = math.exp %logistic3A_125 : vector<32x32xf32>
    %logistic3A_127 = arith.constant 1.000000e+00 : f32
    %logistic3A_128 = vector.broadcast %logistic3A_127 : f32 to vector<32x32xf32>
    %logistic3A_129 = arith.addf %logistic3A_128, %logistic3A_126 : vector<32x32xf32>
    %logistic3A_130 = arith.divf %logistic3A_128, %logistic3A_129 : vector<32x32xf32>
    %max3A = arith.maximumf %logistic3A_84, %logistic3A_107 : vector<32x32xf32>
    %max3A_131 = arith.maximumf %max3A, %logistic3A_130 : vector<32x32xf32>
    %sub3A = arith.subf %logistic3A_84, %max3A_131 : vector<32x32xf32>
    %exp3A = math.exp %sub3A : vector<32x32xf32>
    %sub3A_132 = arith.subf %logistic3A_107, %max3A_131 : vector<32x32xf32>
    %exp3A_133 = math.exp %sub3A_132 : vector<32x32xf32>
    %sub3A_134 = arith.subf %logistic3A_130, %max3A_131 : vector<32x32xf32>
    %exp3A_135 = math.exp %sub3A_134 : vector<32x32xf32>
    %add3A_136 = arith.addf %exp3A, %exp3A_133 : vector<32x32xf32>
    %add3A_137 = arith.addf %add3A_136, %exp3A_135 : vector<32x32xf32>
    %div3A = arith.divf %exp3A, %add3A_137 : vector<32x32xf32>
    %swap3A = arith.constant 0 : index
    %swap3A_138 = arith.constant 0 : index
    %swap3A_139 = arith.constant 0 : index
    %swap3A_140 = arith.constant 0 : index
    %swap3A_141 = vector.load %arg7[%swap3A, %swap3A_138, %swap3A_139, %swap3A_140] : memref<1x3x32x32xf32, #tpu.memory_space<vmem>>, vector<1x1x32x32xf32>
    %swap3A_142 = vector.shape_cast %swap3A_141 : vector<1x1x32x32xf32> to vector<32x32xf32>
    %swap3A_143 = vector.shape_cast %div3A : vector<32x32xf32> to vector<1x1x32x32xf32>
    tpu.vector_store %arg7[%swap3A, %swap3A_138, %swap3A_139, %swap3A_140], %swap3A_143 {strides = array<i32>} : memref<1x3x32x32xf32, #tpu.memory_space<vmem>>, vector<1x1x32x32xf32>,
    %div3A_144 = arith.divf %exp3A_133, %add3A_137 : vector<32x32xf32>
    %swap3A_145 = arith.constant 0 : index
    %swap3A_146 = arith.constant 1 : index
    %swap3A_147 = arith.constant 0 : index
    %swap3A_148 = arith.constant 0 : index
    %swap3A_149 = vector.load %arg7[%swap3A_145, %swap3A_146, %swap3A_147, %swap3A_148] : memref<1x3x32x32xf32, #tpu.memory_space<vmem>>, vector<1x1x32x32xf32>
    %swap3A_150 = vector.shape_cast %swap3A_149 : vector<1x1x32x32xf32> to vector<32x32xf32>
    %swap3A_151 = vector.shape_cast %div3A_144 : vector<32x32xf32> to vector<1x1x32x32xf32>
    tpu.vector_store %arg7[%swap3A_145, %swap3A_146, %swap3A_147, %swap3A_148], %swap3A_151 {strides = array<i32>} : memref<1x3x32x32xf32, #tpu.memory_space<vmem>>, vector<1x1x32x32xf32>,
    %div3A_152 = arith.divf %exp3A_135, %add3A_137 : vector<32x32xf32>
    %swap3A_153 = arith.constant 0 : index
    %swap3A_154 = arith.constant 2 : index
    %swap3A_155 = arith.constant 0 : index
    %swap3A_156 = arith.constant 0 : index
    %swap3A_157 = vector.load %arg7[%swap3A_153, %swap3A_154, %swap3A_155, %swap3A_156] : memref<1x3x32x32xf32, #tpu.memory_space<vmem>>, vector<1x1x32x32xf32>
    %swap3A_158 = vector.shape_cast %swap3A_157 : vector<1x1x32x32xf32> to vector<32x32xf32>
    %swap3A_159 = vector.shape_cast %div3A_152 : vector<32x32xf32> to vector<1x1x32x32xf32>
    tpu.vector_store %arg7[%swap3A_153, %swap3A_154, %swap3A_155, %swap3A_156], %swap3A_159 {strides = array<i32>} : memref<1x3x32x32xf32, #tpu.memory_space<vmem>>, vector<1x1x32x32xf32>,
    return
  }
  func.func @transform_0(%arg0: i32) -> (i32, i32, i32) {
    %c0_i32 = arith.constant 0 : i32
    %c0_i32_0 = arith.constant 0 : i32
    %c0_i32_1 = arith.constant 0 : i32
    return %arg0, %c0_i32, %c0_i32_0 : i32, i32, i32
  }
  func.func @transform_1(%arg0: i32) -> (i32, i32, i32) {
    %c0_i32 = arith.constant 0 : i32
    %c0_i32_0 = arith.constant 0 : i32
    %c0_i32_1 = arith.constant 0 : i32
    return %arg0, %c0_i32, %c0_i32_0 : i32, i32, i32
  }
  func.func @transform_2(%arg0: i32) -> (i32, i32) {
    %c0_i32 = arith.constant 0 : i32
    %c0_i32_0 = arith.constant 0 : i32
    %c0_i32_1 = arith.constant 0 : i32
    return %c0_i32, %c0_i32_0 : i32, i32
  }
  func.func @transform_3(%arg0: i32) -> (i32, i32) {
    %c0_i32 = arith.constant 0 : i32
    %c0_i32_0 = arith.constant 0 : i32
    %c0_i32_1 = arith.constant 0 : i32
    return %c0_i32, %c0_i32_0 : i32, i32
  }
  func.func @transform_4(%arg0: i32) -> (i32, i32) {
    %c0_i32 = arith.constant 0 : i32
    %c0_i32_0 = arith.constant 0 : i32
    %c0_i32_1 = arith.constant 0 : i32
    return %c0_i32, %c0_i32_0 : i32, i32
  }
  func.func @transform_5(%arg0: i32) -> (i32, i32) {
    %c0_i32 = arith.constant 0 : i32
    %c0_i32_0 = arith.constant 0 : i32
    %c0_i32_1 = arith.constant 0 : i32
    return %c0_i32, %c0_i32_0 : i32, i32
  }
  func.func @transform_6(%arg0: i32) -> (i32, i32, i32, i32) {
    %c0_i32 = arith.constant 0 : i32
    %c0_i32_0 = arith.constant 0 : i32
    %c0_i32_1 = arith.constant 0 : i32
    %c0_i32_2 = arith.constant 0 : i32
    return %arg0, %c0_i32, %c0_i32_0, %c0_i32_1 : i32, i32, i32, i32
  }
}

</mosaic_0001>

<sc_bundles>
// kernel: _run.4.cloned.1.call-start
scs
__scs_entry_jumppad:
0x0: {  	(pc) =	sbr.rel $0x88, $3  }
0x1: {  	(tag) =	ssettag $0x0;
	lr =	simm.s32 $0x1  }
0x2: {  	[smem:$0x3F9B] =	sst lr;
	_ =	strace $0xD0000000  }
0x3: {  	_ = 	snop  }
0x4: {  	_ = 	snop  }
0x5: {  	_ = 	snop  }
0x6: {  	_ = 	snop  }
0x7: {  	_ = 	snop  }
__scs_overlays_trampoline_lowered:
0x8: {  	[smem:$0x3FAA] =	sst s0  }
0x9: {  	[smem:$0x3FAB] =	sst s1  }
0xa: {  	[smem:$0x3FAC] =	sst s2  }
0xb: {  	[smem:$0x3FAD] =	sst s3  }
0xc: {  	[smem:$0x3FAE] =	sst s4  }
0xd: {  	[smem:$0x3FAF] =	sst s5  }
0xe: {  	[smem:$0x3FB0] =	sst s6  }
0xf: {  	[smem:$0x3FB1] =	sst s7  }
0x10: {  	[smem:$0x3FB2] =	sst s8  }
0x11: {  	[smem:$0x3FB3] =	sst s9;
	s0 =	simm.s32 @!p0 $0x0  }
0x12: {  	s1 =	sld [smem:$0x3F99];
	s0 =	simm.s32 @p0 $0x1  }
0x13: {  	[smem:$0x3FB4] =	sst s0;
	s0 =	simm.s32 @!p1 $0x0  }
0x14: {  	s2 =	sld [smem:$0x3F98];
	s0 =	simm.s32 @p1 $0x1  }
0x15: {  	[smem:$0x3FB5] =	sst s0;
	s0 =	simm.s32 @!p2 $0x0  }
0x16: {  	s3 =	sld [smem:$0x3FDB];
	s0 =	simm.s32 @p2 $0x1  }
0x17: {  	s4 =	simm.s32 $0x1BF5;
	[smem:$0x3FB7] =	sst s0  }
0x18: {  	s0 =	sld [smem:$0x3F9A];
	_ =	swait.ge [sflag:s4], $0x0  }
0x19: {  	s7 =	sld [smem:$0x3F9B]  }
0x1a: {  	s8 =	sadd.s32 $0xFFFFE003, lr  }
0x1b: {  	s9 =	sadd.s32 $0xFFFFFEF7, lr;
	s5 =	simm.s32 $0xFFFFFFFF;
	p2 =	slt.u32 s8, $0xFFFFF086  }
0x1c: {  	p1 =	slt.u32 s9, $0xF7A;
	s5 =	simm.s32 @!p2 $0x0  }
0x1d: {  	s5 =	simm.s32 @p1 $0x1;
	p0 =	seq.s32 s7, s2  }
0x1e: {  	s7 =	smul.u32 @!p0 $0xF7A, s2;
	p2 =	seq.s32 @!p0 s5, $0x0  }
0x1f: {  	s9 =	smul.u32 $0xF7A, s1;
	s8 =	simm.s32 @!p0 $0x1BF5;
	p2 =	por !p2, p0  }
0x20: {  	[sflag:s8] =	ssyncset.s32 @!p0 $0xFFFFF086;
	s6 =	sadd.s32 @!p0 s3, s7;
	s7 =	simm.s32 @!p0 $0x108  }
0x21: {  	s3 =	sadd.s32 s3, s9;
	s6 =	sadd.s32 @!p0 $0x88, s6;
	s7 =	simm.s32 @p2 $0x1082  }
0x22: {  	[simem:s7], [sflag:s8] =	dma.local @!p0 [hbm:s6], $0xF7A  }
0x23: {  	s9 =	sor.u32 $0xD0000000, s2;
	s6 =	simm.s32 $0x108;
	_ =	swait.ge @!p0 [sflag:s8], $0x0  }
0x24: {  	s3 =	sadd.s32 $0x88, s3;
	s6 =	simm.s32 @!p1 $0x1082;
	[sflag:s4] =	ssyncset.s32 $0xFFFFF086  }
0x25: {  	[simem:s6], [sflag:s4] =	dma.local [hbm:s3], $0xF7A  }
0x26: {  	[smem:$0x3F9B] =	sst s1;
	(tag) =	ssettag s2;
	_ =	strace s9  }
0x27: {  	s1 =	sld [smem:$0x3FAB]  }
0x28: {  	s2 =	sld [smem:$0x3FAC]  }
0x29: {  	s4 =	sld [smem:$0x3FAE]  }
0x2a: {  	p0 =	seq.s32 s5, $0x0;
	s5 =	sld [smem:$0x3FAF]  }
0x2b: {  	s6 =	sld [smem:$0x3FB0]  }
0x2c: {  	s7 =	sld [smem:$0x3FB1]  }
0x2d: {  	s3 =	simm.s32 $0x108;
	s8 =	sld [smem:$0x3FB2]  }
0x2e: {  	s3 =	simm.s32 @!p0 $0x1082;
	s9 =	sld [smem:$0x3FB3]  }
0x2f: {  	lr =	sadd.s32 s0, s3;
	s0 =	sld [smem:$0x3FAA]  }
0x30: {  	s3 =	sld [smem:$0x3FAD]  }
0x31: {  	[smem:$0x3FB6] =	sst s10  }
0x32: {  	s10 =	sld [smem:$0x3FB4];
	_ =	sdelay $0x3  }
0x33: {  	p0 =	seq.s32 s10, $0x1;
	s10 =	sld [smem:$0x3FB6];
	_ =	sdelay $0x3  }
0x34: {  	[smem:$0x3FB6] =	sst s10  }
0x35: {  	s10 =	sld [smem:$0x3FB5];
	_ =	sdelay $0x3  }
0x36: {  	p1 =	seq.s32 s10, $0x1;
	s10 =	sld [smem:$0x3FB6];
	_ =	sdelay $0x3  }
0x37: {  	[smem:$0x3FB6] =	sst s10  }
0x38: {  	s10 =	sld [smem:$0x3FB7]  }
0x39: {  	_ = 	snop;
	(pc) =	sbr.ind lr, $3  }
0x3a: {  	_ = 	snop  }
0x3b: {  	_ = 	snop  }
0x3c: {  	p2 =	seq.s32 s10, $0x1;
	s10 =	sld [smem:$0x3FB6]  }
0x3d: {  	_ =	shalt  }
0x3e: {  	_ =	shalt  }
0x3f: {  	_ =	shalt  }
0x40: {  	_ =	shalt  }
0x41: {  	_ =	shalt  }
0x42: {  	_ =	shalt  }
0x43: {  	_ =	shalt  }
0x44: {  	_ =	shalt  }
0x45: {  	_ =	shalt  }
0x46: {  	_ =	shalt  }
0x47: {  	_ =	shalt  }
0x48: {  	_ =	shalt  }
0x49: {  	_ =	shalt  }
0x4a: {  	_ =	shalt  }
0x4b: {  	_ =	shalt  }
0x4c: {  	_ =	shalt  }
0x4d: {  	_ =	shalt  }
0x4e: {  	_ =	shalt  }
0x4f: {  	_ =	shalt  }
0x50: {  	_ =	shalt  }
0x51: {  	_ =	shalt  }
0x52: {  	_ =	shalt  }
0x53: {  	_ =	shalt  }
0x54: {  	_ =	shalt  }
0x55: {  	_ =	shalt  }
0x56: {  	_ =	shalt  }
0x57: {  	_ =	shalt  }
0x58: {  	_ =	shalt  }
0x59: {  	_ =	shalt  }
0x5a: {  	_ =	shalt  }
0x5b: {  	_ =	shalt  }
0x5c: {  	_ =	shalt  }
0x5d: {  	_ =	shalt  }
0x5e: {  	_ =	shalt  }
0x5f: {  	_ =	shalt  }
0x60: {  	_ =	shalt  }
0x61: {  	_ =	shalt  }
0x62: {  	_ =	shalt  }
0x63: {  	_ =	shalt  }
0x64: {  	_ =	shalt  }
0x65: {  	_ =	shalt  }
0x66: {  	_ =	shalt  }
0x67: {  	_ =	shalt  }
0x68: {  	_ =	shalt  }
0x69: {  	_ =	shalt  }
0x6a: {  	_ =	shalt  }
0x6b: {  	_ =	shalt  }
0x6c: {  	_ =	shalt  }
0x6d: {  	_ =	shalt  }
0x6e: {  	_ =	shalt  }
0x6f: {  	_ =	shalt  }
0x70: {  	_ =	shalt  }
0x71: {  	_ =	shalt  }
0x72: {  	_ =	shalt  }
0x73: {  	_ =	shalt  }
0x74: {  	_ =	shalt  }
0x75: {  	_ =	shalt  }
0x76: {  	_ =	shalt  }
0x77: {  	_ =	shalt  }
0x78: {  	_ =	shalt  }
0x79: {  	_ =	shalt  }
0x7a: {  	_ =	shalt  }
0x7b: {  	_ =	shalt  }
0x7c: {  	_ =	shalt  }
0x7d: {  	_ =	shalt  }
0x7e: {  	_ =	shalt  }
0x7f: {  	_ =	shalt  }
0x80: {  	_ =	shalt  }
0x81: {  	_ =	shalt  }
0x82: {  	_ =	shalt  }
0x83: {  	_ =	shalt  }
0x84: {  	_ =	shalt  }
0x85: {  	_ =	shalt  }
0x86: {  	_ =	shalt  }
0x87: {  	_ =	shalt  }
.Lfunc_end0:
.L_simem_size_0:
called_computation_lowered:
.L_overlay_start_0:
0x88: {  	s2 =	sld [smem:$0x3FD9]  }
0x89: {  	s3 =	sld [smem:$0x3FFE];
	_ =	sdelay $0x1  }
0x8a: {  	s1 =	srdreg.scid  }
0x8b: {  	s0 =	sand.u32 $0x1, s1  }
0x8c: {  	s14 =	sshll.u32 s0, $0xA;
	s2 =	sadd.s32 s3, s2  }
0x8d: {  	s2 =	sadd.s32 s2, s14  }
0x8e: {  	[smem:$0x3FC2] =	sst s2  }
0x8f: {  	_ = 	snop  }
0x90: {  	s2 =	sld [smem:$0x3FD0];
	_ =	sdelay $0x2  }
0x91: {  	s15 =	simm.s32 $0xA;
	s4 =	simm.s32 $0x10  }
0x92: {  	[smem:s4], [sflag:s15] =	dma.local [hbm:s2], $0x1  }
0x93: {  	_ =	swait.eq [sflag:s15], $0x1  }
0x94: {  	[sflag:s15] =	ssyncset.done $0x0  }
0x95: {  	[sflag:s15] =	ssyncadd.s32 $0xFFFFFFFF  }
0x96: {  	s16 =	sld [smem:$0x11];
	(tm) =	ssettm $0x1  }
0x97: {  	s17 =	sld [smem:$0x3FFB];
	_ =	sdelay $0x3  }
0x98: {  	_ =	strace s17  }
0x99: {  	s3 =	sld [smem:$0x3FFC];
	_ =	sdelay $0x3  }
0x9a: {  	_ =	strace s3  }
0x9b: {  	s3 =	sld [smem:$0x3FFD];
	_ =	sdelay $0x3  }
0x9c: {  	_ =	strace s3  }
0x9d: {  	_ =	strace $0x8FFFFFFF  }
0x9e: {  	s18 =	sld [smem:$0x3FDB];
	_ =	sdelay $0x1  }
0x9f: {  	s19 =	simm.s32 $_scs_section_size  }
0xa0: {  	s5 =	simm.s32 $_size__tile_overlayer_lowered;
	s6 =	simm.s32 $_tile_overlayer_lowered  }
0xa1: {  	s22 =	simm.s32 $0x1BFF;
	s21 =	sshll.u32 s6, $0x1;
	s3 =	sadd.s32 s19, s18  }
0xa2: {  	s7 =	simm.s32 $0x0;
	s20 =	sshll.u32 s5, $0x1;
	s5 =	sadd.s32 s21, s3  }
0xa3: {  	[timem:s7], [sflag:s22] =	dma.local [hbm:s5], s20  }
0xa4: {  	_ =	swait.ge [sflag:s22], s20  }
0xa5: {  	s4 =	ssub.s32 $0x0, s20;
	[sflag:s22] =	ssyncset.done $0x0  }
0xa6: {  	[sflag:s22] =	ssyncadd.s32 s4;
	_ =	sdelay $0x1  }
0xa7: {  	s23 =	simm.s32 $0x1B8B  }
0xa8: {  	_ =	swait.ge [sflag:s23], $0x1  }
0xa9: {  	[sflag:s23] =	ssyncset.done $0x0  }
0xaa: {  	s25 =	simm.s32 $0x1B8E;
	s24 =	sld [smem:$0x3FFE];
	[sflag:s23] =	ssyncadd.s32 $0xFFFFFFFF  }
0xab: {  	s26 =	simm.s32 $execute0_lowered;
	[smem:$0x3FD2] =	sst s25  }
0xac: {  	s5 =	sshll.u32 s26, $0x1;
	_ =	strace $0x80000046;
	[dreg:$0x1] =	wrdreg $0xFFFFFFFF  }
0xad: {  	s28 =	simm.s32 $_size_execute0_lowered;
	s3 =	sadd.s32 s3, s5;
	[dreg:$0x0] =	wrdreg $0x0  }
0xae: {  	s5 =	sshll.u32 s28, $0x1;
	[dreg:$0x2] =	wrdreg s3  }
0xaf: {  	[dreg:$0x3] =	wrdreg s5  }
0xb0: {  	[dreg:$0x4] =	wrdreg $0xC0  }
0xb1: {  	_ =	task [dreg:s7], $0x5FFFF  }
0xb2: {  	[dreg:$0x1] =	wrdreg $0xFFFFFFFF  }
0xb3: {  	[dreg:$0x0] =	wrdreg $0x60  }
0xb4: {  	[dreg:$0x2] =	wrdreg s24  }
0xb5: {  	[dreg:$0x3] =	wrdreg s16  }
0xb6: {  	[dreg:$0x4] =	wrdreg $0x9  }
0xb7: {  	_ =	task.clear_ibuf [dreg:s7], $0x5FFFF;
	_ =	strace $0x90000046  }
0xb8: {  	s29 =	simm.s32 $0x9;
	_ =	strace $0x80000048  }
0xb9: {  	_ =	swait.ge [sflag:s29], $0x1  }
0xba: {  	[sflag:s29] =	ssyncadd.s32 $0xFFFFFFFF  }
0xbb: {  	_ =	strace $0x90000048  }
0xbc: {  	_ =	sfence  }
0xbd: {  	s30 =	sld [smem:$0x0];
	_ =	sdelay $0x2  }
0xbe: {  	s31 =	sshll.u32 s1, $0xD;
	s1 =	sshrl.u32 s1, $0x2  }
0xbf: {  	s3 =	sand.u32 $0x4000, s31;
	s1 =	sadd.s32 s1, s30  }
0xc0: {  	s0 =	sor.u32 s3, s0;
	s1 =	sshll.u32 s1, $0x11  }
0xc1: {  	s0 =	sor.u32 s1, s0  }
0xc2: {  	s0 =	sadd.s32 $0x8F2B, s0  }
0xc3: {  	[sflag:s0] =	ssyncadd.remote.s32 $0x1  }
0xc4: {  	_ =	sfence.sel $0xFFFF  }
0xc5: {  	[dreg:$0x0] =	wrdreg $0xFFFFFFFF;
	(pc) =	sbr.abs _section_cstart, $3  }
0xc6: {  	[dreg:$0x1] =	wrdreg $0xFFFFFFFF  }
0xc7: {  	_ =	task.clear_ibuf [dreg:s7], $0x2FFFF;
	_ =	strace $0x9FFFFFFF  }
0xc8: {  	(tm) =	ssettm $0x7FFFFFFF  }
0xc9: {  	_ =	shalt  }
tec
execute0_lowered:
.L_overlay_start_1:
0x0: {  	(tag) =	ssettag $0x1  }
0x1: {  	s0 =	stileid.u32;
	s3 =	rddreg [dreg:$0x0]  }
0x2: {  	s1 =	srdreg.scid;
	s5 =	rddreg [dreg:$0x1];
	s11 =	simm.s32 $0x200  }
0x3: {  	s13 =	simm.s32 $0x300;
	s2 =	sshll.u32 s0, $0x1;
	s8 =	sshrl.u32 s0, $0x3  }
0x4: {  	s4 =	sand.u32 $0x1, s1;
	s30 =	sand.u32 $0xE, s2;
	s9 =	smul.u32 $0x7C0, s8  }
0x5: {  	s14 =	simm.s32 $0x0;
	s12 =	smul.u32 $0xFFFFF840, s8;
	s6 =	sor.u32 s4, s30  }
0x6: {  	s1 =	rddreg [dreg:$0x2];
	s2 =	simm.s32 $0x0;
	s7 =	smul.u32 $0xA, s6  }
0x7: {  	[smem:$0x7FF] =	sst s2;
	s4 =	ssub.s32 $0x2, s4;
	s6 =	smul.u32 $0xF80, s6  }
0x8: {  	_ =	strace $0x80000047;
	s10 =	sshrl.u32 s4, $0x1;
	v1 =	vmov s12;
	s12 =	simm.s32 $0x280  }
0x9: {  	s31 =	ssub.s32 s4, s10;
	s10 =	simm.s32 $0x180;
	s7 =	sadd.s32 s7, s3  }
0xa: {  	s6 =	sadd.s32 s9, s6;
	s3 =	sadd.s32 $0xE00, s3;
	s9 =	simm.s32 $0x80  }
0xb: {  	v0 =	vlaneseq.u32;
	s6 =	sshrl.u32 s6, $0x3;
	s4 =	sadd.s32 $0x1000, s7;
	s7 =	smul.u32 $0x1F0, s8  }
0xc: {  	v3 =	vimm.s32 $0x0;
	v2 =	vor.u32 $0x10, v0;
	s8 =	simm.s32 $0x1;
	s5 =	sadd.s32 s5, s6;
	s6 =	smax.u32 s31, $0x1  }
.LBB2_1:
0xd: {  	[tilespmem:s2], [sflag:$0x1] =	stream.linear.gather [hbm4b:s4+s2], $0x50, $0x38;
	[tilespmem:$0xB00] =	vst v63  }
0xe: {  	_ =	swait.ge [sflag:s8], $0x50  }
0xf: {  	[sflag:s8] =	ssyncset.done $0x0  }
0x10: {  	[sflag:s8] =	ssyncadd.s32 $0xFFFFFFB0  }
0x11: {  	v6 =	vmov s2;
	[tilespmem:s9], [sflag:$0x1] =	stream.linear.gather [hbm4b:s3+s2], $0x100, $0x38;
	[tilespmem:$0xB00] =	vst v63  }
0x12: {  	_ =	swait.ge [sflag:s8], $0x100  }
0x13: {  	[sflag:s8] =	ssyncset.done $0x0  }
0x14: {  	[sflag:s8] =	ssyncadd.s32 $0xFFFFFF00  }
0x15: {  	v4 =	vld [tilespmem:$0x10]  }
0x16: {  	v8 =	vld.idx.msk [tilespmem:v6+s2+$0x0], $0xffff  }
0x17: {  	s15 =	simm.s32 $0x1;
	v5 =	vld [tilespmem:$0x0]  }
0x18: {  	v7 =	vmov s15  }
0x19: {  	v10 =	vimm.s32 $0x0;
	vm0 =	vlt.u32 v6, v0  }
0x1a: {  	s31 =	simm.s32 $0x2;
	v9 =	vimm.s32 $0x0;
	vm3 =	vlt.u32 v6, v2;
	vm0 =	vmmov vm0  }
0x1b: {  	vm1 =	vlt.u32 v7, v0;
	v6 =	vmov s31;
	vm2 =	veq.f32 v8, v4  }
0x1c: {  	vm4 =	veq.f32 v8, v5;
	vm2 =	vmand vm3, vm2;
	vm3 =	vgt.f32 v8, v4  }
0x1d: {  	vm5 =	vgt.f32 v8, v5;
	vm4 =	vmand vm0, vm4;
	v8 =	vld.idx.msk [tilespmem:v7+s2+$0x0], $0xffff;
	vm2 =	vmor vm3, vm2  }
0x1e: {  	s15 =	simm.s32 $0x3;
	vm0 =	vmmov vm1;
	vm1 =	vmor vm5, vm4;
	v11 =	vsel vm2, $0x1, v3  }
.LBB2_2:
0x1f: {  	p0 =	sne.s32 s15, $0x4F;
	vm2 =	vlt.u32 v6, v0;
	v12 =	vsel vm1, $0x1, v3;
	v10 =	vadd.s32 v11, v10  }
0x20: {  	v9 =	vadd.s32 v12, v9  }
.Ltmp0:
0x21: {  	(pc) =	sbr.rel @p0 .LBB2_2-.Ltmp0, $4  }
0x22: {  	vm4 =	vlt.u32 v7, v2;
	vm1 =	veq.f32 v8, v5;
	vm3 =	veq.f32 v8, v4;
	v11 =	vmovc v8  }
0x23: {  	v7 =	vmovc v6;
	vm1 =	vmand vm0, vm1;
	vm0 =	vgt.f32 v11, v4;
	vm3 =	vmand vm4, vm3;
	v8 =	vld.idx.msk [tilespmem:v6+s2+$0x0], $0xffff  }
0x24: {  	vm4 =	vgt.f32 v11, v5;
	vm3 =	vmor vm0, vm3;
	vm0 =	vmmov vm2  }
0x25: {  	v6 =	vmov s15;
	s15 =	sadd.s32 $0x1, s15;
	vm1 =	vmor vm4, vm1;
	v11 =	vsel vm3, $0x1, v3  }
0x26: {  	_ =	sdelay $0x3  }
0x27: {  	v10 =	vadd.s32 v11, v10;
	v11 =	vld.idx.msk [tilespmem:v6+s2+$0x0], $0xffff  }
0x28: {  	vm2 =	vlt.u32 v6, v0;
	v12 =	vsel vm1, $0x1, v3;
	vm3 =	vlt.u32 v7, v2  }
0x29: {  	v7 =	vadd.s32 v12, v9;
	vm2 =	vmmov vm2;
	vm1 =	veq.f32 v8, v5  }
0x2a: {  	vm4 =	vgt.f32 v8, v5;
	vm0 =	vmand vm0, vm1;
	vm1 =	veq.f32 v8, v4  }
0x2b: {  	vm1 =	vmand vm3, vm1;
	vm3 =	vgt.f32 v8, v4;
	vm0 =	vmor vm4, vm0  }
0x2c: {  	s15 =	simm.s32 $0x0;
	vm1 =	vmor vm3, vm1;
	v9 =	vsel vm0, $0x1, v3;
	vm0 =	veq.f32 v11, v5  }
0x2d: {  	vm3 =	vlt.u32 v6, v2;
	vm15 =	vgt.f32 v11, v5;
	v6 =	vmov s15  }
0x2e: {  	v8 =	vsel vm1, $0x1, v3;
	vm1 =	veq.f32 v11, v4;
	vm0 =	vmand vm2, vm0  }
0x2f: {  	vm2 =	vgt.f32 v11, v4;
	vm1 =	vmand vm3, vm1;
	vm0 =	vmor vm15, vm0  }
0x30: {  	v4 =	vadd.s32 v9, v7;
	vm1 =	vmor vm2, vm1;
	v5 =	vsel vm0, $0x1, v3  }
0x31: {  	v7 =	vadd.s32 v8, v10;
	v8 =	vsel vm1, $0x1, v3;
	v5 =	vadd.s32 v5, v4  }
0x32: {  	v4 =	vadd.s32 v8, v7;
	[tilespmem:$0x180] =	vst v5  }
0x33: {  	s31 =	simm.s32 $0x1;
	[tilespmem:$0x190] =	vst v4  }
0x34: {  	v8 =	vmov s31;
	v7 =	vld.idx.msk [tilespmem:v6+s10+$0x0], $0xffff;
	_ =	sdelay $0x3  }
0x35: {  	v6 =	vimm.s32 $0x0  }
0x36: {  	s15 =	simm.s32 $0x2;
	v8 =	vld.idx.msk [tilespmem:v8+s10+$0x0], $0xffff;
	vm0 =	vlt.s32 v7, v5;
	vm1 =	vlt.s32 v7, v4;
	v7 =	vimm.s32 $0x0  }
.LBB2_4:
0x37: {  	v9 =	vmov s15;
	p0 =	sne.s32 s15, $0x1F;
	s15 =	sadd.s32 $0x1, s15;
	v10 =	vsel vm0, $0x1, v3;
	v11 =	vsel vm1, $0x1, v3  }
.Ltmp1:
0x38: {  	v6 =	vadd.s32 v10, v6;
	v7 =	vadd.s32 v11, v7;
	(pc) =	sbr.rel @p0 .LBB2_4-.Ltmp1, $2  }
0x39: {  	_ =	sdelay $0x2  }
0x3a: {  	vm0 =	vlt.s32 v8, v5;
	vm1 =	vlt.s32 v8, v4;
	v8 =	vld.idx.msk [tilespmem:v9+s10+$0x0], $0xffff  }
0x3b: {  	_ =	sdelay $0x3  }
0x3c: {  	v9 =	vsel vm0, $0x1, v3;
	v10 =	vsel vm1, $0x1, v3;
	vm8 =	vlt.s32 v8, v5  }
0x3d: {  	v6 =	vadd.s32 v9, v6;
	vm9 =	vlt.s32 v8, v4;
	v8 =	vsel vm8, $0x1, v3  }
0x3e: {  	v7 =	vadd.s32 v10, v7;
	v9 =	vsel vm9, $0x1, v3;
	v6 =	vadd.s32 v8, v6  }
0x3f: {  	v7 =	vadd.s32 v9, v7;
	_ =	sdelay $0x3  }
0x40: {  	[tilespmem:v6+s11+$0x0] =	vst.idx.msk $0xffff, v5  }
0x41: {  	[tilespmem:v7+s11+$0x0] =	vst.idx.msk $0xffff, v4  }
0x42: {  	v4 =	vld [tilespmem:$0x200];
	_ =	sdelay $0x7  }
0x43: {  	v5 =	vld.idx.msk [tilespmem:v4+s9+$0x0], $0xffff  }
0x44: {  	s15 =	sadd.s32 $0x0, s7;
	v4 =	vadd.s32 $0x50, v4  }
0x45: {  	v6 =	vmov s15  }
0x46: {  	v6 =	vbroadcast v6, $0x0  }
0x47: {  	v7 =	vld [tilespmem:$0x210]  }
0x48: {  	v8 =	vor.u32 v0, v6;
	[tilespmem:$0x280] =	vst v5  }
0x49: {  	v5 =	vmulhi.u32 $0x8421085, v8;
	v4 =	vld.idx.msk [tilespmem:v4+s9+$0x0], $0xffff;
	_ =	sdelay $0x1  }
0x4a: {  	v9 =	vsub.s32 v8, v5  }
0x4b: {  	v9 =	vshrl.u32 v9, $0x1  }
0x4c: {  	s29 =	sadd.s32 $0x10, s7;
	v5 =	vadd.s32 v5, v9  }
0x4d: {  	v9 =	vmov s29;
	[tilespmem:$0x2A0] =	vst v4;
	v4 =	vshrl.u32 v5, $0x4  }
0x4e: {  	v10 =	vbroadcast v9, $0x0;
	v9 =	vld.idx.msk [tilespmem:v7+s9+$0x0], $0xffff;
	v5 =	vmul.u32 $0xFFFFFFE1, v4  }
0x4f: {  	v7 =	vadd.s32 $0x50, v7  }
0x50: {  	s30 =	sadd.s32 $0x20, s7;
	vm10 =	veq.s32 v6, v0;
	v11 =	vor.u32 v0, v10;
	v13 =	vadd.s32 v8, v5  }
0x51: {  	v12 =	vmulhi.u32 $0x8421085, v11;
	v5 =	vmov s30;
	vm11 =	vne.s32 v13, $0x0  }
0x52: {  	v5 =	vbroadcast v5, $0x0;
	vm0 =	vmand vm10, vm11  }
0x53: {  	v6 =	vshll.u32 v8, $0x2;
	v8 =	vsub.s32 v11, v12;
	[tilespmem:$0x290] =	vst v9;
	v9 =	vsel vm0, $0xFFFFFFFF, v3  }
0x54: {  	v14 =	vshrl.u32 v8, $0x1;
	v8 =	vor.u32 v0, v5;
	v7 =	vld.idx.msk [tilespmem:v7+s9+$0x0], $0xffff;
	v15 =	vadd.s32 v9, v4  }
0x55: {  	v4 =	vadd.s32 v12, v14;
	v12 =	vmulhi.u32 $0x8421085, v8;
	vm12 =	vge.s32 v13, v15  }
0x56: {  	v14 =	vadd.s32 $0x20, v15;
	v17 =	vshrl.u32 v4, $0x4;
	v16 =	vsel vm12, $0x1, v3  }
0x57: {  	vm13 =	veq.s32 v10, v0;
	v13 =	vadd.s32 v16, v13;
	v16 =	vmul.u32 $0xFFFFFFE1, v17  }
0x58: {  	s31 =	sadd.s32 $0x30, s7;
	v9 =	vshll.u32 v11, $0x2;
	v18 =	vsub.s32 v8, v12;
	v19 =	vadd.s32 $0x20, v13  }
0x59: {  	[tilespmem:$0x2B0] =	vst v7;
	v7 =	vmov s31;
	v11 =	vadd.s32 v11, v16;
	v16 =	vadd.s32 v1, v6  }
0x5a: {  	v20 =	vld.idx.msk [tilespmem:v15+s12+$0x0], $0xffff;
	v6 =	vbroadcast v7, $0x0;
	vm14 =	vne.s32 v11, $0x0;
	v7 =	vshrl.u32 v18, $0x1  }
0x5b: {  	v21 =	vld.idx.msk [tilespmem:v14+s12+$0x0], $0xffff;
	v22 =	vor.u32 $0x1, v16;
	v24 =	vor.u32 $0x2, v16;
	vm0 =	vmand vm13, vm14  }
0x5c: {  	v14 =	vor.u32 $0x3, v16;
	v23 =	vld.idx.msk [tilespmem:v13+s12+$0x0], $0xffff;
	v10 =	vor.u32 v0, v6;
	v13 =	vsel vm0, $0xFFFFFFFF, v3  }
0x5d: {  	v12 =	vadd.s32 v12, v7;
	v25 =	vmulhi.u32 $0x8421085, v10;
	v15 =	vadd.s32 v13, v17;
	v18 =	vld.idx.msk [tilespmem:v19+s12+$0x0], $0xffff  }
0x5e: {  	v4 =	vshll.u32 v8, $0x2;
	v12 =	vshrl.u32 v12, $0x4;
	vm15 =	vge.s32 v11, v15  }
0x5f: {  	v13 =	vadd.s32 $0x20, v15;
	v17 =	vsub.s32 v10, v25;
	v19 =	vsel vm15, $0x1, v3;
	[tilespmem:v16+s13+$0x0] =	vst.idx.msk $0xffff, v20  }
0x60: {  	v7 =	vshll.u32 v10, $0x2;
	v17 =	vshrl.u32 v17, $0x1;
	v16 =	vadd.s32 v19, v11;
	[tilespmem:v22+s13+$0x0] =	vst.idx.msk $0xffff, v21  }
0x61: {  	s15 =	simm.s32 $0x40;
	v19 =	vmul.u32 $0xFFFFFFE1, v12;
	v11 =	vadd.s32 v25, v17;
	v17 =	vadd.s32 $0x20, v16;
	[tilespmem:v24+s13+$0x0] =	vst.idx.msk $0xffff, v23  }
.LBB2_6:
0x62: {  	s16 =	sadd.s32 s15, s7;
	p0 =	sne.s32 s15, $0x1E0;
	s15 =	sadd.s32 $0x10, s15;
	[tilespmem:v14+s13+$0x0] =	vst.idx.msk $0xffff, v18  }
0x63: {  	v21 =	vadd.s32 v1, v9;
	v9 =	vmovc v4;
	v14 =	vmov s16;
	v19 =	vadd.s32 v8, v19;
	v20 =	vld.idx.msk [tilespmem:v15+s12+$0x0], $0xffff;
	v8 =	vmovc v10  }
0x64: {  	vm0 =	veq.s32 v5, v0;
	v5 =	vmovc v6;
	v4 =	vmovc v7;
	vm1 =	vne.s32 v19, $0x0;
	v22 =	vld.idx.msk [tilespmem:v13+s12+$0x0], $0xffff;
	v6 =	vbroadcast v14, $0x0  }
0x65: {  	v24 =	vor.u32 $0x1, v21;
	v14 =	vor.u32 $0x3, v21;
	vm0 =	vmand vm0, vm1;
	v23 =	vld.idx.msk [tilespmem:v16+s12+$0x0], $0xffff  }
0x66: {  	v25 =	vor.u32 $0x2, v21;
	v10 =	vor.u32 v0, v6;
	v13 =	vsel vm0, $0xFFFFFFFF, v3;
	v18 =	vld.idx.msk [tilespmem:v17+s12+$0x0], $0xffff  }
.Ltmp2:
0x67: {  	v17 =	vmulhi.u32 $0x8421085, v10;
	v7 =	vshll.u32 v10, $0x2;
	v15 =	vadd.s32 v13, v12;
	(pc) =	sbr.rel @p0 .LBB2_6-.Ltmp2, $4  }
0x68: {  	vm0 =	vge.s32 v19, v15;
	v13 =	vadd.s32 $0x20, v15  }
0x69: {  	v12 =	vsub.s32 v10, v17;
	v16 =	vsel vm0, $0x1, v3;
	[tilespmem:v21+s13+$0x0] =	vst.idx.msk $0xffff, v20  }
0x6a: {  	v20 =	vshrl.u32 v12, $0x1;
	v12 =	vshrl.u32 v11, $0x4;
	v16 =	vadd.s32 v16, v19;
	[tilespmem:v24+s13+$0x0] =	vst.idx.msk $0xffff, v22  }
0x6b: {  	v11 =	vadd.s32 v17, v20;
	v19 =	vmul.u32 $0xFFFFFFE1, v12;
	v17 =	vadd.s32 $0x20, v16;
	[tilespmem:v25+s13+$0x0] =	vst.idx.msk $0xffff, v23  }
0x6c: {  	_ =	sdelay $0x3  }
0x6d: {  	[tilespmem:v14+s13+$0x0] =	vst.idx.msk $0xffff, v18;
	v8 =	vadd.s32 v8, v19  }
0x6e: {  	v9 =	vadd.s32 v1, v9;
	vm0 =	veq.s32 v5, v0;
	v14 =	vld.idx.msk [tilespmem:v15+s12+$0x0], $0xffff;
	vm1 =	vne.s32 v8, $0x0  }
0x6f: {  	v5 =	vld.idx.msk [tilespmem:v13+s12+$0x0], $0xffff;
	v47 =	vor.u32 $0x1, v9;
	vm0 =	vmand vm0, vm1  }
0x70: {  	v48 =	vld.idx.msk [tilespmem:v16+s12+$0x0], $0xffff;
	v50 =	vor.u32 $0x2, v9;
	v49 =	vsel vm0, $0xFFFFFFFF, v3  }
0x71: {  	v51 =	vor.u32 $0x3, v9;
	v17 =	vld.idx.msk [tilespmem:v17+s12+$0x0], $0xffff;
	v12 =	vadd.s32 v49, v12  }
0x72: {  	vm12 =	vge.s32 v8, v12  }
0x73: {  	v52 =	vshrl.u32 v11, $0x4;
	v16 =	vadd.s32 $0x20, v12;
	[tilespmem:v9+s13+$0x0] =	vst.idx.msk $0xffff, v14;
	v20 =	vsel vm12, $0x1, v3  }
0x74: {  	[tilespmem:v47+s13+$0x0] =	vst.idx.msk $0xffff, v5;
	v5 =	vmul.u32 $0xFFFFFFE1, v52;
	v8 =	vadd.s32 v20, v8  }
0x75: {  	[tilespmem:v50+s13+$0x0] =	vst.idx.msk $0xffff, v48;
	v53 =	vadd.s32 $0x20, v8  }
0x76: {  	[tilespmem:v51+s13+$0x0] =	vst.idx.msk $0xffff, v17;
	v5 =	vadd.s32 v10, v5  }
0x77: {  	v4 =	vadd.s32 v1, v4;
	vm13 =	veq.s32 v6, v0;
	v54 =	vld.idx.msk [tilespmem:v12+s12+$0x0], $0xffff;
	vm14 =	vne.s32 v5, $0x0  }
0x78: {  	v56 =	vor.u32 $0x1, v4;
	v55 =	vld.idx.msk [tilespmem:v16+s12+$0x0], $0xffff;
	vm0 =	vmand vm13, vm14  }
0x79: {  	v58 =	vor.u32 $0x2, v4;
	v57 =	vsel vm0, $0xFFFFFFFF, v3;
	v8 =	vld.idx.msk [tilespmem:v8+s12+$0x0], $0xffff  }
0x7a: {  	v59 =	vor.u32 $0x3, v4;
	v9 =	vadd.s32 v57, v52;
	v11 =	vld.idx.msk [tilespmem:v53+s12+$0x0], $0xffff  }
0x7b: {  	vm15 =	vge.s32 v5, v9  }
0x7c: {  	v13 =	vadd.s32 $0x20, v9;
	v60 =	vsel vm15, $0x1, v3;
	[tilespmem:v4+s13+$0x0] =	vst.idx.msk $0xffff, v54  }
0x7d: {  	v4 =	vadd.s32 v60, v5;
	[tilespmem:v56+s13+$0x0] =	vst.idx.msk $0xffff, v55  }
0x7e: {  	v5 =	vadd.s32 $0x20, v4;
	[tilespmem:v58+s13+$0x0] =	vst.idx.msk $0xffff, v8  }
0x7f: {  	[tilespmem:v59+s13+$0x0] =	vst.idx.msk $0xffff, v11  }
0x80: {  	v7 =	vadd.s32 v1, v7;
	v6 =	vld.idx.msk [tilespmem:v9+s12+$0x0], $0xffff  }
0x81: {  	v61 =	vor.u32 $0x1, v7;
	v8 =	vld.idx.msk [tilespmem:v13+s12+$0x0], $0xffff  }
0x82: {  	v62 =	vor.u32 $0x2, v7;
	v4 =	vld.idx.msk [tilespmem:v4+s12+$0x0], $0xffff  }
0x83: {  	v63 =	vor.u32 $0x3, v7;
	v5 =	vld.idx.msk [tilespmem:v5+s12+$0x0], $0xffff;
	_ =	sdelay $0x1  }
0x84: {  	[tilespmem:v7+s13+$0x0] =	vst.idx.msk $0xffff, v6  }
0x85: {  	s14 =	sadd.s32 $0x1, s14;
	[tilespmem:v61+s13+$0x0] =	vst.idx.msk $0xffff, v8  }
0x86: {  	p0 =	sne.s32 s14, s6;
	[tilespmem:v62+s13+$0x0] =	vst.idx.msk $0xffff, v4  }
.Ltmp3:
0x87: {  	[tilespmem:v63+s13+$0x0] =	vst.idx.msk $0xffff, v5;
	(pc) =	sbr.rel @p0 .LBB2_1-.Ltmp3, $4  }
0x88: {  	[hbm4b:s5+s2] =	stream.linear.scatter [tilespmem:s13], [sflag:$0x1], $0x7C0, $0x38;
	[tilespmem:$0xB00] =	vst v63  }
0x89: {  	_ =	swait.ge [sflag:s8], $0x7C0  }
0x8a: {  	[sflag:s8] =	ssyncset.done $0x0  }
0x8b: {  	[sflag:s8] =	ssyncadd.s32 $0xFFFFF840  }
0x8c: {  	_ =	sfence.sel $0x180000  }
0x8d: {  	[bflag:$0x0] =	sbarrier.arrive $0xFFFF  }
0x8e: {  	p0 =	sne.s32 s0, $0x0;
	_ =	strace $0x90000047  }
0x8f: {  	s0 =	sadd.s32 @!p0 $0x100000, s1;
	[bflag:$0x2] =	sbarrier.arrive $0xFFFF  }
0x90: {  	[sflag:s0] =	ssyncadd.tile.s32 @!p0 $0x1;
	_ =	shalt  }
.Lfunc_end2:
_tile_overlayer_lowered:
.L_overlay_start_2:
0x91: {  	(tag) =	ssettag $0x2  }
0x92: {  	s0 =	rddreg [dreg:$0x0];
	s2 =	stileid.u32  }
0x93: {  	s1 =	rddreg [dreg:$0x1];
	p0 =	sne.s32 s2, $0x0  }
0x94: {  	s3 =	rddreg [dreg:$0x2];
	[bflag:$0x3] =	sbarrier.arrive $0xFFFF;
	s2 =	simm.s32 @!p0 $0x1C01  }
0x95: {  	[timem:s3], [sflag:s2] =	dma.local @!p0 [hbm:s0], s1  }
0x96: {  	s0 =	simm.s32 @!p0 $0x1  }
0x97: {  	_ =	swait.ge @!p0 [sflag:s0], s1  }
0x98: {  	s1 =	ssub.s32 @!p0 $0x0, s1;
	[sflag:s0] =	ssyncset.done @!p0 $0x0  }
0x99: {  	[sflag:s0] =	ssyncadd.s32 @!p0 s1  }
0x9a: {  	[bflag:$0x3] =	sbarrier.arrive $0xFFFF  }
0x9b: {  	_ =	shalt  }

</sc_bundles>
